<compile_context>
chip_gen: v7x
topology: tpu7x:2x2x1
jax: 0.10.2.dev20260603
libtpu: 0.0.44.dev20260713+nightly
codegen_flags: <defaults>
</compile_context>

<pallas_src>
import functools

import jax
import jax.numpy as jnp
from jax import lax
from jax.experimental import pallas as pl
from jax.experimental.pallas import tpu as pltpu
from jax.experimental.pallas import tpu_sc as plsc


def _pack_body(l_ref, u_ref, o_ref):
    l = l_ref[...]
    u = u_ref[...]
    cl = 1.0 - jnp.minimum(l, u)
    cu = 1.0 - jnp.maximum(l, u)
    bl = lax.bitcast_convert_type(cl, jnp.int32)
    bu = lax.bitcast_convert_type(cu, jnp.int32)
    rl = (bl + 0x7FFF + ((bl >> 16) & 1)) >> 16
    ru = (bu + 0x7FFF + ((bu >> 16) & 1)) >> 16
    o_ref[...] = (ru << 16) | (rl & 0xFFFF)


def _combine_body(parts_ref, pb_ref, l_ref, u_ref):
    n = pb_ref.shape[0]
    al = parts_ref[0, pl.ds(0, n)] + parts_ref[3, pl.ds(0, n)]
    au = parts_ref[1, pl.ds(0, n)] + parts_ref[4, pl.ds(0, n)]
    dg = parts_ref[2, pl.ds(0, n)] + parts_ref[5, pl.ds(0, n)]
    den = jnp.maximum(dg, 1e-6)
    pb = pb_ref[...]
    l_ref[...] = jnp.clip(pb - al / den, 0.0, 1.0)
    u_ref[...] = jnp.clip(pb - au / den, 0.0, 1.0)


def kernel(L0, U0, pW, pB, edge_index):
    N = pB.shape[0]
    E = edge_index.shape[1]
    M = pW.shape[0]
    NW = 32
    NPAD = 102400
    ZS = NPAD // 16
    CE = 800
    edges_per_tile = E // NW
    nchunks = edges_per_tile // CE

    f32 = jnp.float32
    ei_flat = edge_index.reshape(2 * E)
    zeros = jnp.zeros((NPAD,), f32)
    pad = NPAD - N
    l0p = jnp.pad(L0, (0, pad))
    u0p = jnp.pad(U0, (0, pad))

    packed = pl.pallas_call(
        _pack_body,
        out_shape=jax.ShapeDtypeStruct((NPAD,), jnp.int32),
    )(l0p, u0p)

    mesh = plsc.VectorSubcoreMesh(core_axis_name="c", subcore_axis_name="s",
                                  num_cores=2, num_subcores=16)
    ibuf2 = [pltpu.VMEM((CE,), jnp.int32)] * 2
    fbuf2 = [pltpu.VMEM((CE,), f32)] * 2

    @functools.partial(
        pl.kernel,
        out_type=jax.ShapeDtypeStruct((6, NPAD), f32),
        mesh=mesh,
        compiler_params=pltpu.CompilerParams(use_tc_tiling_on_sc=False,
                                             needs_layout_passes=False),
        scratch_types=[
            pltpu.VMEM((N,), jnp.int32),
            ibuf2,
            ibuf2,
            fbuf2,
            fbuf2,
            fbuf2,
            pltpu.VMEM((CE,), f32),
            pltpu.VMEM_SHARED((NPAD,), f32),
            pltpu.VMEM_SHARED((NPAD,), f32),
            pltpu.VMEM_SHARED((NPAD,), f32),
            pltpu.SemaphoreType.DMA,
            [pltpu.SemaphoreType.DMA] * 2,
        ],
    )
    def _edge_kernel(ei_hbm, pw_hbm, packed_hbm, zeros_hbm, out_hbm,
                     table_v, src_v, dst_v, pw_v, ml_v, mu_v, ones_v,
                     accl_s, accu_s, accw_s, sem_in, sem_sc):
        cid = lax.axis_index("c")
        sid = lax.axis_index("s")
        wid = sid * 2 + cid
        zoff = sid * ZS
        tdma = pltpu.make_async_copy(packed_hbm.at[pl.ds(0, N)], table_v,
                                     sem_in)
        tdma.start()
        for acc in (accl_s, accu_s, accw_s):
            pltpu.sync_copy(zeros_hbm.at[pl.ds(zoff, ZS)],
                            acc.at[pl.ds(zoff, ZS)])

        @pl.loop(0, CE // 16)
        def _init_ones(i):
            ones_v[pl.ds(i * 16, 16)] = jnp.full((16,), 1.0, f32)

        tdma.wait()
        plsc.subcore_barrier()

        base = wid * edges_per_tile

        def fire_inputs(k, p, weighted, method="start"):
            eb = base + k * CE
            for off, hbm, v in ((0, ei_hbm, src_v), (E, ei_hbm, dst_v)) + (
                    ((None, pw_hbm, pw_v),) if weighted else ()):
                sl = pl.ds(eb if off is None else off + eb, CE)
                d = pltpu.make_async_copy(hbm.at[sl], v[p], sem_in)
                getattr(d, method)()

        def scatter(p, weighted, method="start"):
            wsrc = pw_v[p] if weighted else ones_v
            for v, acc in ((ml_v[p], accl_s), (mu_v[p], accu_s),
                           (wsrc, accw_s)):
                d = pltpu.make_async_copy(v, acc.at[dst_v[p]], sem_sc[p])
                d.start(add=True) if method == "start" else d.wait()

        def compute(p, weighted):
            @pl.loop(0, CE // 16)
            def _row(i):
                sl = pl.ds(i * 16, 16)
                g = plsc.load_gather(table_v, [src_v[p][sl]])
                cl = plsc.bitcast(g << 16, f32)
                cu = plsc.bitcast(g & jnp.int32(-65536), f32)
                if weighted:
                    w = pw_v[p][sl]
                    ml_v[p][sl] = w * cl
                    mu_v[p][sl] = w * cu
                else:
                    ml_v[p][sl] = cl
                    mu_v[p][sl] = cu

        def run_chunks(weighted):
            fire_inputs(0, 0, weighted)

            @pl.loop(0, nchunks // 2)
            def _chunk2(k2):
                for p in (0, 1):
                    k = 2 * k2 + p
                    fire_inputs(k, p, weighted, "wait")
                    compute(p, weighted)
                    scatter(p, weighted)
                    if p == 0:
                        @pl.when(k2 > 0)
                        def _():
                            scatter(1, weighted, "wait")
                    else:
                        scatter(0, weighted, "wait")
                    if p == 0:
                        fire_inputs(k + 1, 1, weighted)
                    else:
                        @pl.when(k2 < nchunks // 2 - 1)
                        def _():
                            fire_inputs(2 * k2 + 2, 0, weighted)

            scatter(1, weighted, "wait")

        tile_weighted = base < M

        @pl.when(tile_weighted)
        def _():
            run_chunks(True)

        @pl.when(jnp.logical_not(tile_weighted))
        def _():
            run_chunks(False)

        plsc.subcore_barrier()
        for j, acc in enumerate((accl_s, accu_s, accw_s)):
            pltpu.sync_copy(acc.at[pl.ds(zoff, ZS)],
                            out_hbm.at[cid * 3 + j, pl.ds(zoff, ZS)])

    parts = _edge_kernel(ei_flat, pW, packed, zeros)

    lp, up = pl.pallas_call(
        _combine_body,
        out_shape=[jax.ShapeDtypeStruct((N,), f32)] * 2,
    )(parts, pB)
    return lp, up

# --- scband reference (transcript-rebuilt; emitter-appended) ---
"""Pipeline reference for scband-word-net-35888746725958 (READ-ONLY COPY).

The authoritative reference and input builder live on the scoring server;
editing this copy changes nothing except your own understanding.
"""

import jax, jax.numpy as jnp
import numpy as np

N = 100000
E = 6400000
LEARN_M = 3200000

def setup_inputs(seed: int = 0) -> dict:
    key = jax.random.key(seed)
    k1, k2, k3, k4, k5 = jax.random.split(key, 5)
    L0 = jax.random.uniform(k1, (N,), dtype=jnp.float32)
    U0 = jax.random.uniform(k2, (N,), dtype=jnp.float32)
    # learnable parameters (pW, pB) of the WordNet LNN; original init is ones,
    # we use uniform [0,1) to avoid fully saturated clipped outputs
    pW = jax.random.uniform(k3, (LEARN_M,), dtype=jnp.float32)
    pB = jax.random.uniform(k4, (N,), dtype=jnp.float32)
    # sparse gLNN structure: row 0 = src node, row 1 = dst node for each edge
    edge_index = jax.random.randint(k5, (2, E), 0, N, dtype=jnp.int32)
    return {"L0": L0, "U0": U0, "pW": pW, "pB": pB, "edge_index": edge_index}

def reference(L0, U0, pW, pB, edge_index):
    n = pB.shape[0]
    m = edge_index.shape[1]
    # step 1 (faithful to forward()): build global weight vector gW by
    # concatenating learnable pW with ones for non-learnable edges; gB = pB
    non_param_w = jnp.ones((m - pW.shape[0],), dtype=pW.dtype)
    gW = jnp.concatenate([pW, non_param_w], axis=0)
    gB = pB
    # step 2: sparse LNN message passing over gLNN (univ.execute):
    # weighted (normalized) Lukasiewicz-style AND producing lower/upper bounds in [0,1]
    Lb = jnp.minimum(L0, U0)
    Ub = jnp.maximum(L0, U0)
    src = edge_index[0]
    dst = edge_index[1]
    msgL = gW * (1.0 - Lb[src])          # gather over src nodes
    msgU = gW * (1.0 - Ub[src])
    aggL = jax.ops.segment_sum(msgL, dst, num_segments=n)   # scatter-add by dst
    aggU = jax.ops.segment_sum(msgU, dst, num_segments=n)
    deg = jax.ops.segment_sum(gW, dst, num_segments=n)
    denom = jnp.maximum(deg, 1e-6)
    L = jnp.clip(gB - aggL / denom, 0.0, 1.0)
    U = jnp.clip(gB - aggU / denom, 0.0, 1.0)
    # invariant asserted in original forward: 0 <= L <= U <= 1
    return (L, U)

if __name__ == "__main__":
    import jax
    _d = setup_inputs()
    print(jax.jit(kernel)(*tuple(_d.values())))

</pallas_src>

<mosaic_0001>
#map = affine_map<(d0, d1) -> (0)>
#map1 = affine_map<(d0, d1) -> (0, 0)>
module attributes {stable_mosaic.version = 14 : i64} {
  func.func @_edge_kernel(%arg0: i32, %arg1: i32, %arg2: memref<12800000xi32, #tpu.memory_space<hbm>>, %arg3: memref<3200000xf32, #tpu.memory_space<hbm>>, %arg4: memref<102400xi32, #tpu.memory_space<hbm>>, %arg5: memref<102400xf32, #tpu.memory_space<hbm>>, %arg6: memref<6x102400xf32, #tpu.memory_space<hbm>>, %arg7: memref<100000xi32, #tpu.memory_space<vmem>>, %arg8: memref<800xi32, #tpu.memory_space<vmem>>, %arg9: memref<800xi32, #tpu.memory_space<vmem>>, %arg10: memref<800xi32, #tpu.memory_space<vmem>>, %arg11: memref<800xi32, #tpu.memory_space<vmem>>, %arg12: memref<800xf32, #tpu.memory_space<vmem>>, %arg13: memref<800xf32, #tpu.memory_space<vmem>>, %arg14: memref<800xf32, #tpu.memory_space<vmem>>, %arg15: memref<800xf32, #tpu.memory_space<vmem>>, %arg16: memref<800xf32, #tpu.memory_space<vmem>>, %arg17: memref<800xf32, #tpu.memory_space<vmem>>, %arg18: memref<800xf32, #tpu.memory_space<vmem>>, %arg19: memref<102400xf32, #tpu.memory_space<vmem_shared>>, %arg20: memref<102400xf32, #tpu.memory_space<vmem_shared>>, %arg21: memref<102400xf32, #tpu.memory_space<vmem_shared>>, %arg22: memref<!tpu.dma_semaphore, #tpu.memory_space<semaphore_mem>>, %arg23: memref<!tpu.dma_semaphore, #tpu.memory_space<semaphore_mem>>, %arg24: memref<!tpu.dma_semaphore, #tpu.memory_space<semaphore_mem>>) attributes {dimension_semantics = [#tpu.dimension_semantics<core_parallel>, #tpu.dimension_semantics<subcore_parallel>], iteration_bounds = array<i64: 2, 16>, scalar_prefetch = 0 : i64, scratch_operands = 18 : i64, tpu.core_type = #tpu.core_type<sc_vector_subcore>, window_params = [{transform_indices = #map}, {transform_indices = #map}, {transform_indices = #map}, {transform_indices = #map}, {transform_indices = #map1}]} {
    %mul3A = arith.constant 2 : i32
    %mul3A_0 = arith.muli %arg1, %mul3A : i32
    %add3A = arith.addi %mul3A_0, %arg0 : i32
    %mul3A_1 = arith.constant 6400 : i32
    %mul3A_2 = arith.muli %arg1, %mul3A_1 : i32
    %dma_start3A = arith.constant 0 : i32
    %dma_start3A_3 = tpu.memref_slice %arg4[%dma_start3A] : memref<102400xi32, #tpu.memory_space<hbm>> -> memref<100000xi32, #tpu.memory_space<hbm>>
    %dma_start3A_4 = arith.constant 0 : i32
    %dma_start3A_5 = tpu.memref_slice %arg4[%dma_start3A_4] : memref<102400xi32, #tpu.memory_space<hbm>> -> memref<100000xi32, #tpu.memory_space<hbm>>
    tpu.enqueue_dma source(%dma_start3A_5 : memref<100000xi32, #tpu.memory_space<hbm>>) target(%arg7 : memref<100000xi32, #tpu.memory_space<vmem>>) target_semaphore(%arg22 : memref<!tpu.dma_semaphore, #tpu.memory_space<semaphore_mem>>)
    "tpu.region"() ({
      %run_scoped3A = tpu.sem_alloc : memref<!tpu.dma_semaphore, #tpu.memory_space<semaphore_mem>>
      %dma_start3A_34 = tpu.memref_slice %arg19[%mul3A_2] : memref<102400xf32, #tpu.memory_space<vmem_shared>> -> memref<6400xf32, #tpu.memory_space<vmem_shared>>
      %dma_start3A_35 = tpu.memref_slice %arg5[%mul3A_2] : memref<102400xf32, #tpu.memory_space<hbm>> -> memref<6400xf32, #tpu.memory_space<hbm>>
      tpu.enqueue_dma source(%dma_start3A_35 : memref<6400xf32, #tpu.memory_space<hbm>>) target(%dma_start3A_34 : memref<6400xf32, #tpu.memory_space<vmem_shared>>) target_semaphore(%run_scoped3A : memref<!tpu.dma_semaphore, #tpu.memory_space<semaphore_mem>>)
      %dma_wait3A_36 = tpu.memref_slice %arg19[%mul3A_2] : memref<102400xf32, #tpu.memory_space<vmem_shared>> -> memref<6400xf32, #tpu.memory_space<vmem_shared>>
      %dma_wait3A_37 = tpu.memref_slice %arg5[%mul3A_2] : memref<102400xf32, #tpu.memory_space<hbm>> -> memref<6400xf32, #tpu.memory_space<hbm>>
      tpu.wait_dma2 semaphore(%run_scoped3A : memref<!tpu.dma_semaphore, #tpu.memory_space<semaphore_mem>>) src(%dma_wait3A_37 : memref<6400xf32, #tpu.memory_space<hbm>>) dst(%dma_wait3A_36 : memref<6400xf32, #tpu.memory_space<vmem_shared>>)
      tpu.yield
    }) : () -> ()
    "tpu.region"() ({
      %run_scoped3A = tpu.sem_alloc : memref<!tpu.dma_semaphore, #tpu.memory_space<semaphore_mem>>
      %dma_start3A_34 = tpu.memref_slice %arg20[%mul3A_2] : memref<102400xf32, #tpu.memory_space<vmem_shared>> -> memref<6400xf32, #tpu.memory_space<vmem_shared>>
      %dma_start3A_35 = tpu.memref_slice %arg5[%mul3A_2] : memref<102400xf32, #tpu.memory_space<hbm>> -> memref<6400xf32, #tpu.memory_space<hbm>>
      tpu.enqueue_dma source(%dma_start3A_35 : memref<6400xf32, #tpu.memory_space<hbm>>) target(%dma_start3A_34 : memref<6400xf32, #tpu.memory_space<vmem_shared>>) target_semaphore(%run_scoped3A : memref<!tpu.dma_semaphore, #tpu.memory_space<semaphore_mem>>)
      %dma_wait3A_36 = tpu.memref_slice %arg20[%mul3A_2] : memref<102400xf32, #tpu.memory_space<vmem_shared>> -> memref<6400xf32, #tpu.memory_space<vmem_shared>>
      %dma_wait3A_37 = tpu.memref_slice %arg5[%mul3A_2] : memref<102400xf32, #tpu.memory_space<hbm>> -> memref<6400xf32, #tpu.memory_space<hbm>>
      tpu.wait_dma2 semaphore(%run_scoped3A : memref<!tpu.dma_semaphore, #tpu.memory_space<semaphore_mem>>) src(%dma_wait3A_37 : memref<6400xf32, #tpu.memory_space<hbm>>) dst(%dma_wait3A_36 : memref<6400xf32, #tpu.memory_space<vmem_shared>>)
      tpu.yield
    }) : () -> ()
    "tpu.region"() ({
      %run_scoped3A = tpu.sem_alloc : memref<!tpu.dma_semaphore, #tpu.memory_space<semaphore_mem>>
      %dma_start3A_34 = tpu.memref_slice %arg21[%mul3A_2] : memref<102400xf32, #tpu.memory_space<vmem_shared>> -> memref<6400xf32, #tpu.memory_space<vmem_shared>>
      %dma_start3A_35 = tpu.memref_slice %arg5[%mul3A_2] : memref<102400xf32, #tpu.memory_space<hbm>> -> memref<6400xf32, #tpu.memory_space<hbm>>
      tpu.enqueue_dma source(%dma_start3A_35 : memref<6400xf32, #tpu.memory_space<hbm>>) target(%dma_start3A_34 : memref<6400xf32, #tpu.memory_space<vmem_shared>>) target_semaphore(%run_scoped3A : memref<!tpu.dma_semaphore, #tpu.memory_space<semaphore_mem>>)
      %dma_wait3A_36 = tpu.memref_slice %arg21[%mul3A_2] : memref<102400xf32, #tpu.memory_space<vmem_shared>> -> memref<6400xf32, #tpu.memory_space<vmem_shared>>
      %dma_wait3A_37 = tpu.memref_slice %arg5[%mul3A_2] : memref<102400xf32, #tpu.memory_space<hbm>> -> memref<6400xf32, #tpu.memory_space<hbm>>
      tpu.wait_dma2 semaphore(%run_scoped3A : memref<!tpu.dma_semaphore, #tpu.memory_space<semaphore_mem>>) src(%dma_wait3A_37 : memref<6400xf32, #tpu.memory_space<hbm>>) dst(%dma_wait3A_36 : memref<6400xf32, #tpu.memory_space<vmem_shared>>)
      tpu.yield
    }) : () -> ()
    %scan3A = arith.constant 0 : i32
    %scan3A_6 = arith.constant 50 : i32
    %scan3A_7 = arith.addi %scan3A, %scan3A_6 : i32
    %scan3A_8 = arith.constant 1 : i32
    scf.for %scan3A_34 = %scan3A to %scan3A_7 step %scan3A_8  : i32 {
      %mul3A_35 = arith.constant 1 : i32
      %mul3A_36 = arith.muli %scan3A_34, %mul3A_35 : i32
      %add3A_37 = arith.constant 0 : i32
      %add3A_38 = arith.addi %add3A_37, %mul3A_36 : i32
      %broadcast_in_dim3A = arith.constant 1.000000e+00 : f32
      %broadcast_in_dim3A_39 = vector.broadcast %broadcast_in_dim3A : f32 to vector<16xf32>
      %mul3A_40 = arith.constant 16 : i32
      %mul3A_41 = arith.muli %add3A_38, %mul3A_40 : i32
      %swap3A = arith.index_cast %mul3A_41 : i32 to index
      %swap3A_42 = tpu.vector_load %arg18[%swap3A] {strides = array<i32>} : memref<800xf32, #tpu.memory_space<vmem>>, vector<16xf32>,
      tpu.vector_store %arg18[%swap3A], %broadcast_in_dim3A_39 {strides = array<i32>} : memref<800xf32, #tpu.memory_space<vmem>>, vector<16xf32>,
    }
    %scan3A_9 = arith.constant 50 : i32
    %dma_wait3A = arith.constant 0 : i32
    %dma_wait3A_10 = tpu.memref_slice %arg4[%dma_wait3A] : memref<102400xi32, #tpu.memory_space<hbm>> -> memref<100000xi32, #tpu.memory_space<hbm>>
    %dma_wait3A_11 = arith.constant 0 : i32
    %dma_wait3A_12 = tpu.memref_slice %arg4[%dma_wait3A_11] : memref<102400xi32, #tpu.memory_space<hbm>> -> memref<100000xi32, #tpu.memory_space<hbm>>
    tpu.wait_dma2 semaphore(%arg22 : memref<!tpu.dma_semaphore, #tpu.memory_space<semaphore_mem>>) src(%dma_wait3A_12 : memref<100000xi32, #tpu.memory_space<hbm>>) dst(%arg7 : memref<100000xi32, #tpu.memory_space<vmem>>)
    %barrier3A = arith.constant 0 : index
    tpu.barrier barrier_id(%barrier3A)
    %mul3A_13 = arith.constant 200000 : i32
    %mul3A_14 = arith.muli %add3A, %mul3A_13 : i32
    %lt3A = arith.constant 3200000 : i32
    %lt3A_15 = arith.cmpi slt, %mul3A_14, %lt3A : i32
    %convert_element_type3A = arith.extui %lt3A_15 : i1 to i32
    %cond3A = arith.constant 0 : i32
    %cond3A_16 = arith.cmpi ne, %convert_element_type3A, %cond3A : i32
    scf.if %cond3A_16 {
      %add3A_34 = arith.constant 0 : i32
      %add3A_35 = arith.addi %mul3A_14, %add3A_34 : i32
      %add3A_36 = arith.constant 0 : i32
      %add3A_37 = arith.addi %add3A_36, %add3A_35 : i32
      %dma_start3A_38 = tpu.memref_slice %arg2[%add3A_37] : memref<12800000xi32, #tpu.memory_space<hbm>> -> memref<800xi32, #tpu.memory_space<hbm>>
      %dma_start3A_39 = tpu.memref_slice %arg2[%add3A_37] : memref<12800000xi32, #tpu.memory_space<hbm>> -> memref<800xi32, #tpu.memory_space<hbm>>
      tpu.enqueue_dma source(%dma_start3A_39 : memref<800xi32, #tpu.memory_space<hbm>>) target(%arg8 : memref<800xi32, #tpu.memory_space<vmem>>) target_semaphore(%arg22 : memref<!tpu.dma_semaphore, #tpu.memory_space<semaphore_mem>>)
      %add3A_40 = arith.constant 6400000 : i32
      %add3A_41 = arith.addi %add3A_40, %add3A_35 : i32
      %dma_start3A_42 = tpu.memref_slice %arg2[%add3A_41] : memref<12800000xi32, #tpu.memory_space<hbm>> -> memref<800xi32, #tpu.memory_space<hbm>>
      %dma_start3A_43 = tpu.memref_slice %arg2[%add3A_41] : memref<12800000xi32, #tpu.memory_space<hbm>> -> memref<800xi32, #tpu.memory_space<hbm>>
      tpu.enqueue_dma source(%dma_start3A_43 : memref<800xi32, #tpu.memory_space<hbm>>) target(%arg10 : memref<800xi32, #tpu.memory_space<vmem>>) target_semaphore(%arg22 : memref<!tpu.dma_semaphore, #tpu.memory_space<semaphore_mem>>)
      %dma_start3A_44 = tpu.memref_slice %arg3[%add3A_35] : memref<3200000xf32, #tpu.memory_space<hbm>> -> memref<800xf32, #tpu.memory_space<hbm>>
      %dma_start3A_45 = tpu.memref_slice %arg3[%add3A_35] : memref<3200000xf32, #tpu.memory_space<hbm>> -> memref<800xf32, #tpu.memory_space<hbm>>
      tpu.enqueue_dma source(%dma_start3A_45 : memref<800xf32, #tpu.memory_space<hbm>>) target(%arg12 : memref<800xf32, #tpu.memory_space<vmem>>) target_semaphore(%arg22 : memref<!tpu.dma_semaphore, #tpu.memory_space<semaphore_mem>>)
      %scan3A_46 = arith.constant 0 : i32
      %scan3A_47 = arith.constant 125 : i32
      %scan3A_48 = arith.addi %scan3A_46, %scan3A_47 : i32
      %scan3A_49 = arith.constant 1 : i32
      scf.for %scan3A_57 = %scan3A_46 to %scan3A_48 step %scan3A_49  : i32 {
        %mul3A_58 = arith.constant 1 : i32
        %mul3A_59 = arith.muli %scan3A_57, %mul3A_58 : i32
        %add3A_60 = arith.constant 0 : i32
        %add3A_61 = arith.addi %add3A_60, %mul3A_59 : i32
        %mul3A_62 = arith.constant 2 : i32
        %mul3A_63 = arith.muli %mul3A_62, %add3A_61 : i32
        %add3A_64 = arith.constant 0 : i32
        %add3A_65 = arith.addi %mul3A_63, %add3A_64 : i32
        %mul3A_66 = arith.constant 800 : i32
        %mul3A_67 = arith.muli %add3A_65, %mul3A_66 : i32
        %add3A_68 = arith.addi %mul3A_14, %mul3A_67 : i32
        %add3A_69 = arith.constant 0 : i32
        %add3A_70 = arith.addi %add3A_69, %add3A_68 : i32
        %dma_wait3A_71 = tpu.memref_slice %arg2[%add3A_70] : memref<12800000xi32, #tpu.memory_space<hbm>> -> memref<800xi32, #tpu.memory_space<hbm>>
        %dma_wait3A_72 = tpu.memref_slice %arg2[%add3A_70] : memref<12800000xi32, #tpu.memory_space<hbm>> -> memref<800xi32, #tpu.memory_space<hbm>>
        tpu.wait_dma2 semaphore(%arg22 : memref<!tpu.dma_semaphore, #tpu.memory_space<semaphore_mem>>) src(%dma_wait3A_72 : memref<800xi32, #tpu.memory_space<hbm>>) dst(%arg8 : memref<800xi32, #tpu.memory_space<vmem>>)
        %add3A_73 = arith.constant 6400000 : i32
        %add3A_74 = arith.addi %add3A_73, %add3A_68 : i32
        %dma_wait3A_75 = tpu.memref_slice %arg2[%add3A_74] : memref<12800000xi32, #tpu.memory_space<hbm>> -> memref<800xi32, #tpu.memory_space<hbm>>
        %dma_wait3A_76 = tpu.memref_slice %arg2[%add3A_74] : memref<12800000xi32, #tpu.memory_space<hbm>> -> memref<800xi32, #tpu.memory_space<hbm>>
        tpu.wait_dma2 semaphore(%arg22 : memref<!tpu.dma_semaphore, #tpu.memory_space<semaphore_mem>>) src(%dma_wait3A_76 : memref<800xi32, #tpu.memory_space<hbm>>) dst(%arg10 : memref<800xi32, #tpu.memory_space<vmem>>)
        %dma_wait3A_77 = tpu.memref_slice %arg3[%add3A_68] : memref<3200000xf32, #tpu.memory_space<hbm>> -> memref<800xf32, #tpu.memory_space<hbm>>
        %dma_wait3A_78 = tpu.memref_slice %arg3[%add3A_68] : memref<3200000xf32, #tpu.memory_space<hbm>> -> memref<800xf32, #tpu.memory_space<hbm>>
        tpu.wait_dma2 semaphore(%arg22 : memref<!tpu.dma_semaphore, #tpu.memory_space<semaphore_mem>>) src(%dma_wait3A_78 : memref<800xf32, #tpu.memory_space<hbm>>) dst(%arg12 : memref<800xf32, #tpu.memory_space<vmem>>)
        %scan3A_79 = arith.constant 0 : i32
        %scan3A_80 = arith.constant 50 : i32
        %scan3A_81 = arith.addi %scan3A_79, %scan3A_80 : i32
        %scan3A_82 = arith.constant 1 : i32
        scf.for %scan3A_148 = %scan3A_79 to %scan3A_81 step %scan3A_82  : i32 {
          %mul3A_149 = arith.constant 1 : i32
          %mul3A_150 = arith.muli %scan3A_148, %mul3A_149 : i32
          %add3A_151 = arith.constant 0 : i32
          %add3A_152 = arith.addi %add3A_151, %mul3A_150 : i32
          %mul3A_153 = arith.constant 16 : i32
          %mul3A_154 = arith.muli %add3A_152, %mul3A_153 : i32
          %get3A = arith.index_cast %mul3A_154 : i32 to index
          %get3A_155 = tpu.vector_load %arg8[%get3A] {strides = array<i32>} : memref<800xi32, #tpu.memory_space<vmem>>, vector<16xi32>,
          %gather3A = tpu.vector_load_idx %arg7[%get3A_155] : memref<100000xi32, #tpu.memory_space<vmem>>[vector<16xi32>], vector<16xi32>,
          %shift_left3A = arith.constant 16 : i32
          %shift_left3A_156 = vector.broadcast %shift_left3A : i32 to vector<16xi32>
          %shift_left3A_157 = arith.shli %gather3A, %shift_left3A_156 : vector<16xi32>
          %bitcast3A = vector.bitcast %shift_left3A_157 : vector<16xi32> to vector<16xf32>
          %and3A = arith.constant -65536 : i32
          %and3A_158 = vector.broadcast %and3A : i32 to vector<16xi32>
          %and3A_159 = arith.andi %gather3A, %and3A_158 : vector<16xi32>
          %bitcast3A_160 = vector.bitcast %and3A_159 : vector<16xi32> to vector<16xf32>
          %get3A_161 = arith.index_cast %mul3A_154 : i32 to index
          %get3A_162 = tpu.vector_load %arg12[%get3A_161] {strides = array<i32>} : memref<800xf32, #tpu.memory_space<vmem>>, vector<16xf32>,
          %mul3A_163 = arith.mulf %get3A_162, %bitcast3A : vector<16xf32>
          %swap3A = arith.index_cast %mul3A_154 : i32 to index
          %swap3A_164 = tpu.vector_load %arg14[%swap3A] {strides = array<i32>} : memref<800xf32, #tpu.memory_space<vmem>>, vector<16xf32>,
          tpu.vector_store %arg14[%swap3A], %mul3A_163 {strides = array<i32>} : memref<800xf32, #tpu.memory_space<vmem>>, vector<16xf32>,
          %mul3A_165 = arith.mulf %get3A_162, %bitcast3A_160 : vector<16xf32>
          %swap3A_166 = arith.index_cast %mul3A_154 : i32 to index
          %swap3A_167 = tpu.vector_load %arg16[%swap3A_166] {strides = array<i32>} : memref<800xf32, #tpu.memory_space<vmem>>, vector<16xf32>,
          tpu.vector_store %arg16[%swap3A_166], %mul3A_165 {strides = array<i32>} : memref<800xf32, #tpu.memory_space<vmem>>, vector<16xf32>,
        }
        %scan3A_83 = arith.constant 50 : i32
        %dma_start3A_84 = arith.constant 0 : i32
        %dma_start3A_85 = tpu.memref_slice %arg19[%dma_start3A_84] : memref<102400xf32, #tpu.memory_space<vmem_shared>> -> memref<102400xf32, #tpu.memory_space<vmem_shared>>
        tpu.enqueue_indirect_dma source(%arg14 : memref<800xf32, #tpu.memory_space<vmem>>) target(%dma_start3A_85 : memref<102400xf32, #tpu.memory_space<vmem_shared>>) offsets(%arg10 : memref<800xi32, #tpu.memory_space<vmem>>) semaphore(%arg23 : memref<!tpu.dma_semaphore, #tpu.memory_space<semaphore_mem>>) {add = true}
        %dma_start3A_86 = arith.constant 0 : i32
        %dma_start3A_87 = tpu.memref_slice %arg20[%dma_start3A_86] : memref<102400xf32, #tpu.memory_space<vmem_shared>> -> memref<102400xf32, #tpu.memory_space<vmem_shared>>
        tpu.enqueue_indirect_dma source(%arg16 : memref<800xf32, #tpu.memory_space<vmem>>) target(%dma_start3A_87 : memref<102400xf32, #tpu.memory_space<vmem_shared>>) offsets(%arg10 : memref<800xi32, #tpu.memory_space<vmem>>) semaphore(%arg23 : memref<!tpu.dma_semaphore, #tpu.memory_space<semaphore_mem>>) {add = true}
        %dma_start3A_88 = arith.constant 0 : i32
        %dma_start3A_89 = tpu.memref_slice %arg21[%dma_start3A_88] : memref<102400xf32, #tpu.memory_space<vmem_shared>> -> memref<102400xf32, #tpu.memory_space<vmem_shared>>
        tpu.enqueue_indirect_dma source(%arg12 : memref<800xf32, #tpu.memory_space<vmem>>) target(%dma_start3A_89 : memref<102400xf32, #tpu.memory_space<vmem_shared>>) offsets(%arg10 : memref<800xi32, #tpu.memory_space<vmem>>) semaphore(%arg23 : memref<!tpu.dma_semaphore, #tpu.memory_space<semaphore_mem>>) {add = true}
        %gt3A = arith.constant 0 : i32
        %gt3A_90 = arith.cmpi sgt, %add3A_61, %gt3A : i32
        %convert_element_type3A_91 = arith.extui %gt3A_90 : i1 to i32
        %cond3A_92 = arith.constant 0 : i32
        %cond3A_93 = arith.cmpi ne, %convert_element_type3A_91, %cond3A_92 : i32
        scf.if %cond3A_93 {
          %dma_wait3A_148 = arith.constant 0 : i32
          %dma_wait3A_149 = tpu.memref_slice %arg19[%dma_wait3A_148] : memref<102400xf32, #tpu.memory_space<vmem_shared>> -> memref<102400xf32, #tpu.memory_space<vmem_shared>>
          tpu.wait_indirect_dma semaphore(%arg24 : memref<!tpu.dma_semaphore, #tpu.memory_space<semaphore_mem>>) src(%arg15 : memref<800xf32, #tpu.memory_space<vmem>>) dst(%dma_wait3A_149 : memref<102400xf32, #tpu.memory_space<vmem_shared>>)
          %dma_wait3A_150 = arith.constant 0 : i32
          %dma_wait3A_151 = tpu.memref_slice %arg20[%dma_wait3A_150] : memref<102400xf32, #tpu.memory_space<vmem_shared>> -> memref<102400xf32, #tpu.memory_space<vmem_shared>>
          tpu.wait_indirect_dma semaphore(%arg24 : memref<!tpu.dma_semaphore, #tpu.memory_space<semaphore_mem>>) src(%arg17 : memref<800xf32, #tpu.memory_space<vmem>>) dst(%dma_wait3A_151 : memref<102400xf32, #tpu.memory_space<vmem_shared>>)
          %dma_wait3A_152 = arith.constant 0 : i32
          %dma_wait3A_153 = tpu.memref_slice %arg21[%dma_wait3A_152] : memref<102400xf32, #tpu.memory_space<vmem_shared>> -> memref<102400xf32, #tpu.memory_space<vmem_shared>>
          tpu.wait_indirect_dma semaphore(%arg24 : memref<!tpu.dma_semaphore, #tpu.memory_space<semaphore_mem>>) src(%arg13 : memref<800xf32, #tpu.memory_space<vmem>>) dst(%dma_wait3A_153 : memref<102400xf32, #tpu.memory_space<vmem_shared>>)
        } else {
        }
        %add3A_94 = arith.constant 1 : i32
        %add3A_95 = arith.addi %add3A_65, %add3A_94 : i32
        %mul3A_96 = arith.constant 800 : i32
        %mul3A_97 = arith.muli %add3A_95, %mul3A_96 : i32
        %add3A_98 = arith.addi %mul3A_14, %mul3A_97 : i32
        %add3A_99 = arith.constant 0 : i32
        %add3A_100 = arith.addi %add3A_99, %add3A_98 : i32
        %dma_start3A_101 = tpu.memref_slice %arg2[%add3A_100] : memref<12800000xi32, #tpu.memory_space<hbm>> -> memref<800xi32, #tpu.memory_space<hbm>>
        %dma_start3A_102 = tpu.memref_slice %arg2[%add3A_100] : memref<12800000xi32, #tpu.memory_space<hbm>> -> memref<800xi32, #tpu.memory_space<hbm>>
        tpu.enqueue_dma source(%dma_start3A_102 : memref<800xi32, #tpu.memory_space<hbm>>) target(%arg9 : memref<800xi32, #tpu.memory_space<vmem>>) target_semaphore(%arg22 : memref<!tpu.dma_semaphore, #tpu.memory_space<semaphore_mem>>)
        %add3A_103 = arith.constant 6400000 : i32
        %add3A_104 = arith.addi %add3A_103, %add3A_98 : i32
        %dma_start3A_105 = tpu.memref_slice %arg2[%add3A_104] : memref<12800000xi32, #tpu.memory_space<hbm>> -> memref<800xi32, #tpu.memory_space<hbm>>
        %dma_start3A_106 = tpu.memref_slice %arg2[%add3A_104] : memref<12800000xi32, #tpu.memory_space<hbm>> -> memref<800xi32, #tpu.memory_space<hbm>>
        tpu.enqueue_dma source(%dma_start3A_106 : memref<800xi32, #tpu.memory_space<hbm>>) target(%arg11 : memref<800xi32, #tpu.memory_space<vmem>>) target_semaphore(%arg22 : memref<!tpu.dma_semaphore, #tpu.memory_space<semaphore_mem>>)
        %dma_start3A_107 = tpu.memref_slice %arg3[%add3A_98] : memref<3200000xf32, #tpu.memory_space<hbm>> -> memref<800xf32, #tpu.memory_space<hbm>>
        %dma_start3A_108 = tpu.memref_slice %arg3[%add3A_98] : memref<3200000xf32, #tpu.memory_space<hbm>> -> memref<800xf32, #tpu.memory_space<hbm>>
        tpu.enqueue_dma source(%dma_start3A_108 : memref<800xf32, #tpu.memory_space<hbm>>) target(%arg13 : memref<800xf32, #tpu.memory_space<vmem>>) target_semaphore(%arg22 : memref<!tpu.dma_semaphore, #tpu.memory_space<semaphore_mem>>)
        %mul3A_109 = arith.constant 2 : i32
        %mul3A_110 = arith.muli %mul3A_109, %add3A_61 : i32
        %add3A_111 = arith.constant 1 : i32
        %add3A_112 = arith.addi %mul3A_110, %add3A_111 : i32
        %mul3A_113 = arith.constant 800 : i32
        %mul3A_114 = arith.muli %add3A_112, %mul3A_113 : i32
        %add3A_115 = arith.addi %mul3A_14, %mul3A_114 : i32
        %add3A_116 = arith.constant 0 : i32
        %add3A_117 = arith.addi %add3A_116, %add3A_115 : i32
        %dma_wait3A_118 = tpu.memref_slice %arg2[%add3A_117] : memref<12800000xi32, #tpu.memory_space<hbm>> -> memref<800xi32, #tpu.memory_space<hbm>>
        %dma_wait3A_119 = tpu.memref_slice %arg2[%add3A_117] : memref<12800000xi32, #tpu.memory_space<hbm>> -> memref<800xi32, #tpu.memory_space<hbm>>
        tpu.wait_dma2 semaphore(%arg22 : memref<!tpu.dma_semaphore, #tpu.memory_space<semaphore_mem>>) src(%dma_wait3A_119 : memref<800xi32, #tpu.memory_space<hbm>>) dst(%arg9 : memref<800xi32, #tpu.memory_space<vmem>>)
        %add3A_120 = arith.constant 6400000 : i32
        %add3A_121 = arith.addi %add3A_120, %add3A_115 : i32
        %dma_wait3A_122 = tpu.memref_slice %arg2[%add3A_121] : memref<12800000xi32, #tpu.memory_space<hbm>> -> memref<800xi32, #tpu.memory_space<hbm>>
        %dma_wait3A_123 = tpu.memref_slice %arg2[%add3A_121] : memref<12800000xi32, #tpu.memory_space<hbm>> -> memref<800xi32, #tpu.memory_space<hbm>>
        tpu.wait_dma2 semaphore(%arg22 : memref<!tpu.dma_semaphore, #tpu.memory_space<semaphore_mem>>) src(%dma_wait3A_123 : memref<800xi32, #tpu.memory_space<hbm>>) dst(%arg11 : memref<800xi32, #tpu.memory_space<vmem>>)
        %dma_wait3A_124 = tpu.memref_slice %arg3[%add3A_115] : memref<3200000xf32, #tpu.memory_space<hbm>> -> memref<800xf32, #tpu.memory_space<hbm>>
        %dma_wait3A_125 = tpu.memref_slice %arg3[%add3A_115] : memref<3200000xf32, #tpu.memory_space<hbm>> -> memref<800xf32, #tpu.memory_space<hbm>>
        tpu.wait_dma2 semaphore(%arg22 : memref<!tpu.dma_semaphore, #tpu.memory_space<semaphore_mem>>) src(%dma_wait3A_125 : memref<800xf32, #tpu.memory_space<hbm>>) dst(%arg13 : memref<800xf32, #tpu.memory_space<vmem>>)
        %scan3A_126 = arith.constant 0 : i32
        %scan3A_127 = arith.constant 50 : i32
        %scan3A_128 = arith.addi %scan3A_126, %scan3A_127 : i32
        %scan3A_129 = arith.constant 1 : i32
        scf.for %scan3A_148 = %scan3A_126 to %scan3A_128 step %scan3A_129  : i32 {
          %mul3A_149 = arith.constant 1 : i32
          %mul3A_150 = arith.muli %scan3A_148, %mul3A_149 : i32
          %add3A_151 = arith.constant 0 : i32
          %add3A_152 = arith.addi %add3A_151, %mul3A_150 : i32
          %mul3A_153 = arith.constant 16 : i32
          %mul3A_154 = arith.muli %add3A_152, %mul3A_153 : i32
          %get3A = arith.index_cast %mul3A_154 : i32 to index
          %get3A_155 = tpu.vector_load %arg9[%get3A] {strides = array<i32>} : memref<800xi32, #tpu.memory_space<vmem>>, vector<16xi32>,
          %gather3A = tpu.vector_load_idx %arg7[%get3A_155] : memref<100000xi32, #tpu.memory_space<vmem>>[vector<16xi32>], vector<16xi32>,
          %shift_left3A = arith.constant 16 : i32
          %shift_left3A_156 = vector.broadcast %shift_left3A : i32 to vector<16xi32>
          %shift_left3A_157 = arith.shli %gather3A, %shift_left3A_156 : vector<16xi32>
          %bitcast3A = vector.bitcast %shift_left3A_157 : vector<16xi32> to vector<16xf32>
          %and3A = arith.constant -65536 : i32
          %and3A_158 = vector.broadcast %and3A : i32 to vector<16xi32>
          %and3A_159 = arith.andi %gather3A, %and3A_158 : vector<16xi32>
          %bitcast3A_160 = vector.bitcast %and3A_159 : vector<16xi32> to vector<16xf32>
          %get3A_161 = arith.index_cast %mul3A_154 : i32 to index
          %get3A_162 = tpu.vector_load %arg13[%get3A_161] {strides = array<i32>} : memref<800xf32, #tpu.memory_space<vmem>>, vector<16xf32>,
          %mul3A_163 = arith.mulf %get3A_162, %bitcast3A : vector<16xf32>
          %swap3A = arith.index_cast %mul3A_154 : i32 to index
          %swap3A_164 = tpu.vector_load %arg15[%swap3A] {strides = array<i32>} : memref<800xf32, #tpu.memory_space<vmem>>, vector<16xf32>,
          tpu.vector_store %arg15[%swap3A], %mul3A_163 {strides = array<i32>} : memref<800xf32, #tpu.memory_space<vmem>>, vector<16xf32>,
          %mul3A_165 = arith.mulf %get3A_162, %bitcast3A_160 : vector<16xf32>
          %swap3A_166 = arith.index_cast %mul3A_154 : i32 to index
          %swap3A_167 = tpu.vector_load %arg17[%swap3A_166] {strides = array<i32>} : memref<800xf32, #tpu.memory_space<vmem>>, vector<16xf32>,
          tpu.vector_store %arg17[%swap3A_166], %mul3A_165 {strides = array<i32>} : memref<800xf32, #tpu.memory_space<vmem>>, vector<16xf32>,
        }
        %scan3A_130 = arith.constant 50 : i32
        %dma_start3A_131 = arith.constant 0 : i32
        %dma_start3A_132 = tpu.memref_slice %arg19[%dma_start3A_131] : memref<102400xf32, #tpu.memory_space<vmem_shared>> -> memref<102400xf32, #tpu.memory_space<vmem_shared>>
        tpu.enqueue_indirect_dma source(%arg15 : memref<800xf32, #tpu.memory_space<vmem>>) target(%dma_start3A_132 : memref<102400xf32, #tpu.memory_space<vmem_shared>>) offsets(%arg11 : memref<800xi32, #tpu.memory_space<vmem>>) semaphore(%arg24 : memref<!tpu.dma_semaphore, #tpu.memory_space<semaphore_mem>>) {add = true}
        %dma_start3A_133 = arith.constant 0 : i32
        %dma_start3A_134 = tpu.memref_slice %arg20[%dma_start3A_133] : memref<102400xf32, #tpu.memory_space<vmem_shared>> -> memref<102400xf32, #tpu.memory_space<vmem_shared>>
        tpu.enqueue_indirect_dma source(%arg17 : memref<800xf32, #tpu.memory_space<vmem>>) target(%dma_start3A_134 : memref<102400xf32, #tpu.memory_space<vmem_shared>>) offsets(%arg11 : memref<800xi32, #tpu.memory_space<vmem>>) semaphore(%arg24 : memref<!tpu.dma_semaphore, #tpu.memory_space<semaphore_mem>>) {add = true}
        %dma_start3A_135 = arith.constant 0 : i32
        %dma_start3A_136 = tpu.memref_slice %arg21[%dma_start3A_135] : memref<102400xf32, #tpu.memory_space<vmem_shared>> -> memref<102400xf32, #tpu.memory_space<vmem_shared>>
        tpu.enqueue_indirect_dma source(%arg13 : memref<800xf32, #tpu.memory_space<vmem>>) target(%dma_start3A_136 : memref<102400xf32, #tpu.memory_space<vmem_shared>>) offsets(%arg11 : memref<800xi32, #tpu.memory_space<vmem>>) semaphore(%arg24 : memref<!tpu.dma_semaphore, #tpu.memory_space<semaphore_mem>>) {add = true}
        %dma_wait3A_137 = arith.constant 0 : i32
        %dma_wait3A_138 = tpu.memref_slice %arg19[%dma_wait3A_137] : memref<102400xf32, #tpu.memory_space<vmem_shared>> -> memref<102400xf32, #tpu.memory_space<vmem_shared>>
        tpu.wait_indirect_dma semaphore(%arg23 : memref<!tpu.dma_semaphore, #tpu.memory_space<semaphore_mem>>) src(%arg14 : memref<800xf32, #tpu.memory_space<vmem>>) dst(%dma_wait3A_138 : memref<102400xf32, #tpu.memory_space<vmem_shared>>)
        %dma_wait3A_139 = arith.constant 0 : i32
        %dma_wait3A_140 = tpu.memref_slice %arg20[%dma_wait3A_139] : memref<102400xf32, #tpu.memory_space<vmem_shared>> -> memref<102400xf32, #tpu.memory_space<vmem_shared>>
        tpu.wait_indirect_dma semaphore(%arg23 : memref<!tpu.dma_semaphore, #tpu.memory_space<semaphore_mem>>) src(%arg16 : memref<800xf32, #tpu.memory_space<vmem>>) dst(%dma_wait3A_140 : memref<102400xf32, #tpu.memory_space<vmem_shared>>)
        %dma_wait3A_141 = arith.constant 0 : i32
        %dma_wait3A_142 = tpu.memref_slice %arg21[%dma_wait3A_141] : memref<102400xf32, #tpu.memory_space<vmem_shared>> -> memref<102400xf32, #tpu.memory_space<vmem_shared>>
        tpu.wait_indirect_dma semaphore(%arg23 : memref<!tpu.dma_semaphore, #tpu.memory_space<semaphore_mem>>) src(%arg12 : memref<800xf32, #tpu.memory_space<vmem>>) dst(%dma_wait3A_142 : memref<102400xf32, #tpu.memory_space<vmem_shared>>)
        %lt3A_143 = arith.constant 124 : i32
        %lt3A_144 = arith.cmpi slt, %add3A_61, %lt3A_143 : i32
        %convert_element_type3A_145 = arith.extui %lt3A_144 : i1 to i32
        %cond3A_146 = arith.constant 0 : i32
        %cond3A_147 = arith.cmpi ne, %convert_element_type3A_145, %cond3A_146 : i32
        scf.if %cond3A_147 {
          %mul3A_148 = arith.constant 2 : i32
          %mul3A_149 = arith.muli %mul3A_148, %add3A_61 : i32
          %add3A_150 = arith.constant 2 : i32
          %add3A_151 = arith.addi %mul3A_149, %add3A_150 : i32
          %mul3A_152 = arith.constant 800 : i32
          %mul3A_153 = arith.muli %add3A_151, %mul3A_152 : i32
          %add3A_154 = arith.addi %mul3A_14, %mul3A_153 : i32
          %add3A_155 = arith.constant 0 : i32
          %add3A_156 = arith.addi %add3A_155, %add3A_154 : i32
          %dma_start3A_157 = tpu.memref_slice %arg2[%add3A_156] : memref<12800000xi32, #tpu.memory_space<hbm>> -> memref<800xi32, #tpu.memory_space<hbm>>
          %dma_start3A_158 = tpu.memref_slice %arg2[%add3A_156] : memref<12800000xi32, #tpu.memory_space<hbm>> -> memref<800xi32, #tpu.memory_space<hbm>>
          tpu.enqueue_dma source(%dma_start3A_158 : memref<800xi32, #tpu.memory_space<hbm>>) target(%arg8 : memref<800xi32, #tpu.memory_space<vmem>>) target_semaphore(%arg22 : memref<!tpu.dma_semaphore, #tpu.memory_space<semaphore_mem>>)
          %add3A_159 = arith.constant 6400000 : i32
          %add3A_160 = arith.addi %add3A_159, %add3A_154 : i32
          %dma_start3A_161 = tpu.memref_slice %arg2[%add3A_160] : memref<12800000xi32, #tpu.memory_space<hbm>> -> memref<800xi32, #tpu.memory_space<hbm>>
          %dma_start3A_162 = tpu.memref_slice %arg2[%add3A_160] : memref<12800000xi32, #tpu.memory_space<hbm>> -> memref<800xi32, #tpu.memory_space<hbm>>
          tpu.enqueue_dma source(%dma_start3A_162 : memref<800xi32, #tpu.memory_space<hbm>>) target(%arg10 : memref<800xi32, #tpu.memory_space<vmem>>) target_semaphore(%arg22 : memref<!tpu.dma_semaphore, #tpu.memory_space<semaphore_mem>>)
          %dma_start3A_163 = tpu.memref_slice %arg3[%add3A_154] : memref<3200000xf32, #tpu.memory_space<hbm>> -> memref<800xf32, #tpu.memory_space<hbm>>
          %dma_start3A_164 = tpu.memref_slice %arg3[%add3A_154] : memref<3200000xf32, #tpu.memory_space<hbm>> -> memref<800xf32, #tpu.memory_space<hbm>>
          tpu.enqueue_dma source(%dma_start3A_164 : memref<800xf32, #tpu.memory_space<hbm>>) target(%arg12 : memref<800xf32, #tpu.memory_space<vmem>>) target_semaphore(%arg22 : memref<!tpu.dma_semaphore, #tpu.memory_space<semaphore_mem>>)
        } else {
        }
      }
      %scan3A_50 = arith.constant 125 : i32
      %dma_wait3A_51 = arith.constant 0 : i32
      %dma_wait3A_52 = tpu.memref_slice %arg19[%dma_wait3A_51] : memref<102400xf32, #tpu.memory_space<vmem_shared>> -> memref<102400xf32, #tpu.memory_space<vmem_shared>>
      tpu.wait_indirect_dma semaphore(%arg24 : memref<!tpu.dma_semaphore, #tpu.memory_space<semaphore_mem>>) src(%arg15 : memref<800xf32, #tpu.memory_space<vmem>>) dst(%dma_wait3A_52 : memref<102400xf32, #tpu.memory_space<vmem_shared>>)
      %dma_wait3A_53 = arith.constant 0 : i32
      %dma_wait3A_54 = tpu.memref_slice %arg20[%dma_wait3A_53] : memref<102400xf32, #tpu.memory_space<vmem_shared>> -> memref<102400xf32, #tpu.memory_space<vmem_shared>>
      tpu.wait_indirect_dma semaphore(%arg24 : memref<!tpu.dma_semaphore, #tpu.memory_space<semaphore_mem>>) src(%arg17 : memref<800xf32, #tpu.memory_space<vmem>>) dst(%dma_wait3A_54 : memref<102400xf32, #tpu.memory_space<vmem_shared>>)
      %dma_wait3A_55 = arith.constant 0 : i32
      %dma_wait3A_56 = tpu.memref_slice %arg21[%dma_wait3A_55] : memref<102400xf32, #tpu.memory_space<vmem_shared>> -> memref<102400xf32, #tpu.memory_space<vmem_shared>>
      tpu.wait_indirect_dma semaphore(%arg24 : memref<!tpu.dma_semaphore, #tpu.memory_space<semaphore_mem>>) src(%arg13 : memref<800xf32, #tpu.memory_space<vmem>>) dst(%dma_wait3A_56 : memref<102400xf32, #tpu.memory_space<vmem_shared>>)
    } else {
    }
    %not3A = arith.constant true
    %not3A_17 = arith.xori %lt3A_15, %not3A : i1
    %convert_element_type3A_18 = arith.extui %not3A_17 : i1 to i32
    %cond3A_19 = arith.constant 0 : i32
    %cond3A_20 = arith.cmpi ne, %convert_element_type3A_18, %cond3A_19 : i32
    scf.if %cond3A_20 {
      %add3A_34 = arith.constant 0 : i32
      %add3A_35 = arith.addi %mul3A_14, %add3A_34 : i32
      %add3A_36 = arith.constant 0 : i32
      %add3A_37 = arith.addi %add3A_36, %add3A_35 : i32
      %dma_start3A_38 = tpu.memref_slice %arg2[%add3A_37] : memref<12800000xi32, #tpu.memory_space<hbm>> -> memref<800xi32, #tpu.memory_space<hbm>>
      %dma_start3A_39 = tpu.memref_slice %arg2[%add3A_37] : memref<12800000xi32, #tpu.memory_space<hbm>> -> memref<800xi32, #tpu.memory_space<hbm>>
      tpu.enqueue_dma source(%dma_start3A_39 : memref<800xi32, #tpu.memory_space<hbm>>) target(%arg8 : memref<800xi32, #tpu.memory_space<vmem>>) target_semaphore(%arg22 : memref<!tpu.dma_semaphore, #tpu.memory_space<semaphore_mem>>)
      %add3A_40 = arith.constant 6400000 : i32
      %add3A_41 = arith.addi %add3A_40, %add3A_35 : i32
      %dma_start3A_42 = tpu.memref_slice %arg2[%add3A_41] : memref<12800000xi32, #tpu.memory_space<hbm>> -> memref<800xi32, #tpu.memory_space<hbm>>
      %dma_start3A_43 = tpu.memref_slice %arg2[%add3A_41] : memref<12800000xi32, #tpu.memory_space<hbm>> -> memref<800xi32, #tpu.memory_space<hbm>>
      tpu.enqueue_dma source(%dma_start3A_43 : memref<800xi32, #tpu.memory_space<hbm>>) target(%arg10 : memref<800xi32, #tpu.memory_space<vmem>>) target_semaphore(%arg22 : memref<!tpu.dma_semaphore, #tpu.memory_space<semaphore_mem>>)
      %scan3A_44 = arith.constant 0 : i32
      %scan3A_45 = arith.constant 125 : i32
      %scan3A_46 = arith.addi %scan3A_44, %scan3A_45 : i32
      %scan3A_47 = arith.constant 1 : i32
      scf.for %scan3A_55 = %scan3A_44 to %scan3A_46 step %scan3A_47  : i32 {
        %mul3A_56 = arith.constant 1 : i32
        %mul3A_57 = arith.muli %scan3A_55, %mul3A_56 : i32
        %add3A_58 = arith.constant 0 : i32
        %add3A_59 = arith.addi %add3A_58, %mul3A_57 : i32
        %mul3A_60 = arith.constant 2 : i32
        %mul3A_61 = arith.muli %mul3A_60, %add3A_59 : i32
        %add3A_62 = arith.constant 0 : i32
        %add3A_63 = arith.addi %mul3A_61, %add3A_62 : i32
        %mul3A_64 = arith.constant 800 : i32
        %mul3A_65 = arith.muli %add3A_63, %mul3A_64 : i32
        %add3A_66 = arith.addi %mul3A_14, %mul3A_65 : i32
        %add3A_67 = arith.constant 0 : i32
        %add3A_68 = arith.addi %add3A_67, %add3A_66 : i32
        %dma_wait3A_69 = tpu.memref_slice %arg2[%add3A_68] : memref<12800000xi32, #tpu.memory_space<hbm>> -> memref<800xi32, #tpu.memory_space<hbm>>
        %dma_wait3A_70 = tpu.memref_slice %arg2[%add3A_68] : memref<12800000xi32, #tpu.memory_space<hbm>> -> memref<800xi32, #tpu.memory_space<hbm>>
        tpu.wait_dma2 semaphore(%arg22 : memref<!tpu.dma_semaphore, #tpu.memory_space<semaphore_mem>>) src(%dma_wait3A_70 : memref<800xi32, #tpu.memory_space<hbm>>) dst(%arg8 : memref<800xi32, #tpu.memory_space<vmem>>)
        %add3A_71 = arith.constant 6400000 : i32
        %add3A_72 = arith.addi %add3A_71, %add3A_66 : i32
        %dma_wait3A_73 = tpu.memref_slice %arg2[%add3A_72] : memref<12800000xi32, #tpu.memory_space<hbm>> -> memref<800xi32, #tpu.memory_space<hbm>>
        %dma_wait3A_74 = tpu.memref_slice %arg2[%add3A_72] : memref<12800000xi32, #tpu.memory_space<hbm>> -> memref<800xi32, #tpu.memory_space<hbm>>
        tpu.wait_dma2 semaphore(%arg22 : memref<!tpu.dma_semaphore, #tpu.memory_space<semaphore_mem>>) src(%dma_wait3A_74 : memref<800xi32, #tpu.memory_space<hbm>>) dst(%arg10 : memref<800xi32, #tpu.memory_space<vmem>>)
        %scan3A_75 = arith.constant 0 : i32
        %scan3A_76 = arith.constant 50 : i32
        %scan3A_77 = arith.addi %scan3A_75, %scan3A_76 : i32
        %scan3A_78 = arith.constant 1 : i32
        scf.for %scan3A_140 = %scan3A_75 to %scan3A_77 step %scan3A_78  : i32 {
          %mul3A_141 = arith.constant 1 : i32
          %mul3A_142 = arith.muli %scan3A_140, %mul3A_141 : i32
          %add3A_143 = arith.constant 0 : i32
          %add3A_144 = arith.addi %add3A_143, %mul3A_142 : i32
          %mul3A_145 = arith.constant 16 : i32
          %mul3A_146 = arith.muli %add3A_144, %mul3A_145 : i32
          %get3A = arith.index_cast %mul3A_146 : i32 to index
          %get3A_147 = tpu.vector_load %arg8[%get3A] {strides = array<i32>} : memref<800xi32, #tpu.memory_space<vmem>>, vector<16xi32>,
          %gather3A = tpu.vector_load_idx %arg7[%get3A_147] : memref<100000xi32, #tpu.memory_space<vmem>>[vector<16xi32>], vector<16xi32>,
          %shift_left3A = arith.constant 16 : i32
          %shift_left3A_148 = vector.broadcast %shift_left3A : i32 to vector<16xi32>
          %shift_left3A_149 = arith.shli %gather3A, %shift_left3A_148 : vector<16xi32>
          %bitcast3A = vector.bitcast %shift_left3A_149 : vector<16xi32> to vector<16xf32>
          %and3A = arith.constant -65536 : i32
          %and3A_150 = vector.broadcast %and3A : i32 to vector<16xi32>
          %and3A_151 = arith.andi %gather3A, %and3A_150 : vector<16xi32>
          %bitcast3A_152 = vector.bitcast %and3A_151 : vector<16xi32> to vector<16xf32>
          %swap3A = arith.index_cast %mul3A_146 : i32 to index
          %swap3A_153 = tpu.vector_load %arg14[%swap3A] {strides = array<i32>} : memref<800xf32, #tpu.memory_space<vmem>>, vector<16xf32>,
          tpu.vector_store %arg14[%swap3A], %bitcast3A {strides = array<i32>} : memref<800xf32, #tpu.memory_space<vmem>>, vector<16xf32>,
          %swap3A_154 = arith.index_cast %mul3A_146 : i32 to index
          %swap3A_155 = tpu.vector_load %arg16[%swap3A_154] {strides = array<i32>} : memref<800xf32, #tpu.memory_space<vmem>>, vector<16xf32>,
          tpu.vector_store %arg16[%swap3A_154], %bitcast3A_152 {strides = array<i32>} : memref<800xf32, #tpu.memory_space<vmem>>, vector<16xf32>,
        }
        %scan3A_79 = arith.constant 50 : i32
        %dma_start3A_80 = arith.constant 0 : i32
        %dma_start3A_81 = tpu.memref_slice %arg19[%dma_start3A_80] : memref<102400xf32, #tpu.memory_space<vmem_shared>> -> memref<102400xf32, #tpu.memory_space<vmem_shared>>
        tpu.enqueue_indirect_dma source(%arg14 : memref<800xf32, #tpu.memory_space<vmem>>) target(%dma_start3A_81 : memref<102400xf32, #tpu.memory_space<vmem_shared>>) offsets(%arg10 : memref<800xi32, #tpu.memory_space<vmem>>) semaphore(%arg23 : memref<!tpu.dma_semaphore, #tpu.memory_space<semaphore_mem>>) {add = true}
        %dma_start3A_82 = arith.constant 0 : i32
        %dma_start3A_83 = tpu.memref_slice %arg20[%dma_start3A_82] : memref<102400xf32, #tpu.memory_space<vmem_shared>> -> memref<102400xf32, #tpu.memory_space<vmem_shared>>
        tpu.enqueue_indirect_dma source(%arg16 : memref<800xf32, #tpu.memory_space<vmem>>) target(%dma_start3A_83 : memref<102400xf32, #tpu.memory_space<vmem_shared>>) offsets(%arg10 : memref<800xi32, #tpu.memory_space<vmem>>) semaphore(%arg23 : memref<!tpu.dma_semaphore, #tpu.memory_space<semaphore_mem>>) {add = true}
        %dma_start3A_84 = arith.constant 0 : i32
        %dma_start3A_85 = tpu.memref_slice %arg21[%dma_start3A_84] : memref<102400xf32, #tpu.memory_space<vmem_shared>> -> memref<102400xf32, #tpu.memory_space<vmem_shared>>
        tpu.enqueue_indirect_dma source(%arg18 : memref<800xf32, #tpu.memory_space<vmem>>) target(%dma_start3A_85 : memref<102400xf32, #tpu.memory_space<vmem_shared>>) offsets(%arg10 : memref<800xi32, #tpu.memory_space<vmem>>) semaphore(%arg23 : memref<!tpu.dma_semaphore, #tpu.memory_space<semaphore_mem>>) {add = true}
        %gt3A = arith.constant 0 : i32
        %gt3A_86 = arith.cmpi sgt, %add3A_59, %gt3A : i32
        %convert_element_type3A_87 = arith.extui %gt3A_86 : i1 to i32
        %cond3A_88 = arith.constant 0 : i32
        %cond3A_89 = arith.cmpi ne, %convert_element_type3A_87, %cond3A_88 : i32
        scf.if %cond3A_89 {
          %dma_wait3A_140 = arith.constant 0 : i32
          %dma_wait3A_141 = tpu.memref_slice %arg19[%dma_wait3A_140] : memref<102400xf32, #tpu.memory_space<vmem_shared>> -> memref<102400xf32, #tpu.memory_space<vmem_shared>>
          tpu.wait_indirect_dma semaphore(%arg24 : memref<!tpu.dma_semaphore, #tpu.memory_space<semaphore_mem>>) src(%arg15 : memref<800xf32, #tpu.memory_space<vmem>>) dst(%dma_wait3A_141 : memref<102400xf32, #tpu.memory_space<vmem_shared>>)
          %dma_wait3A_142 = arith.constant 0 : i32
          %dma_wait3A_143 = tpu.memref_slice %arg20[%dma_wait3A_142] : memref<102400xf32, #tpu.memory_space<vmem_shared>> -> memref<102400xf32, #tpu.memory_space<vmem_shared>>
          tpu.wait_indirect_dma semaphore(%arg24 : memref<!tpu.dma_semaphore, #tpu.memory_space<semaphore_mem>>) src(%arg17 : memref<800xf32, #tpu.memory_space<vmem>>) dst(%dma_wait3A_143 : memref<102400xf32, #tpu.memory_space<vmem_shared>>)
          %dma_wait3A_144 = arith.constant 0 : i32
          %dma_wait3A_145 = tpu.memref_slice %arg21[%dma_wait3A_144] : memref<102400xf32, #tpu.memory_space<vmem_shared>> -> memref<102400xf32, #tpu.memory_space<vmem_shared>>
          tpu.wait_indirect_dma semaphore(%arg24 : memref<!tpu.dma_semaphore, #tpu.memory_space<semaphore_mem>>) src(%arg18 : memref<800xf32, #tpu.memory_space<vmem>>) dst(%dma_wait3A_145 : memref<102400xf32, #tpu.memory_space<vmem_shared>>)
        } else {
        }
        %add3A_90 = arith.constant 1 : i32
        %add3A_91 = arith.addi %add3A_63, %add3A_90 : i32
        %mul3A_92 = arith.constant 800 : i32
        %mul3A_93 = arith.muli %add3A_91, %mul3A_92 : i32
        %add3A_94 = arith.addi %mul3A_14, %mul3A_93 : i32
        %add3A_95 = arith.constant 0 : i32
        %add3A_96 = arith.addi %add3A_95, %add3A_94 : i32
        %dma_start3A_97 = tpu.memref_slice %arg2[%add3A_96] : memref<12800000xi32, #tpu.memory_space<hbm>> -> memref<800xi32, #tpu.memory_space<hbm>>
        %dma_start3A_98 = tpu.memref_slice %arg2[%add3A_96] : memref<12800000xi32, #tpu.memory_space<hbm>> -> memref<800xi32, #tpu.memory_space<hbm>>
        tpu.enqueue_dma source(%dma_start3A_98 : memref<800xi32, #tpu.memory_space<hbm>>) target(%arg9 : memref<800xi32, #tpu.memory_space<vmem>>) target_semaphore(%arg22 : memref<!tpu.dma_semaphore, #tpu.memory_space<semaphore_mem>>)
        %add3A_99 = arith.constant 6400000 : i32
        %add3A_100 = arith.addi %add3A_99, %add3A_94 : i32
        %dma_start3A_101 = tpu.memref_slice %arg2[%add3A_100] : memref<12800000xi32, #tpu.memory_space<hbm>> -> memref<800xi32, #tpu.memory_space<hbm>>
        %dma_start3A_102 = tpu.memref_slice %arg2[%add3A_100] : memref<12800000xi32, #tpu.memory_space<hbm>> -> memref<800xi32, #tpu.memory_space<hbm>>
        tpu.enqueue_dma source(%dma_start3A_102 : memref<800xi32, #tpu.memory_space<hbm>>) target(%arg11 : memref<800xi32, #tpu.memory_space<vmem>>) target_semaphore(%arg22 : memref<!tpu.dma_semaphore, #tpu.memory_space<semaphore_mem>>)
        %mul3A_103 = arith.constant 2 : i32
        %mul3A_104 = arith.muli %mul3A_103, %add3A_59 : i32
        %add3A_105 = arith.constant 1 : i32
        %add3A_106 = arith.addi %mul3A_104, %add3A_105 : i32
        %mul3A_107 = arith.constant 800 : i32
        %mul3A_108 = arith.muli %add3A_106, %mul3A_107 : i32
        %add3A_109 = arith.addi %mul3A_14, %mul3A_108 : i32
        %add3A_110 = arith.constant 0 : i32
        %add3A_111 = arith.addi %add3A_110, %add3A_109 : i32
        %dma_wait3A_112 = tpu.memref_slice %arg2[%add3A_111] : memref<12800000xi32, #tpu.memory_space<hbm>> -> memref<800xi32, #tpu.memory_space<hbm>>
        %dma_wait3A_113 = tpu.memref_slice %arg2[%add3A_111] : memref<12800000xi32, #tpu.memory_space<hbm>> -> memref<800xi32, #tpu.memory_space<hbm>>
        tpu.wait_dma2 semaphore(%arg22 : memref<!tpu.dma_semaphore, #tpu.memory_space<semaphore_mem>>) src(%dma_wait3A_113 : memref<800xi32, #tpu.memory_space<hbm>>) dst(%arg9 : memref<800xi32, #tpu.memory_space<vmem>>)
        %add3A_114 = arith.constant 6400000 : i32
        %add3A_115 = arith.addi %add3A_114, %add3A_109 : i32
        %dma_wait3A_116 = tpu.memref_slice %arg2[%add3A_115] : memref<12800000xi32, #tpu.memory_space<hbm>> -> memref<800xi32, #tpu.memory_space<hbm>>
        %dma_wait3A_117 = tpu.memref_slice %arg2[%add3A_115] : memref<12800000xi32, #tpu.memory_space<hbm>> -> memref<800xi32, #tpu.memory_space<hbm>>
        tpu.wait_dma2 semaphore(%arg22 : memref<!tpu.dma_semaphore, #tpu.memory_space<semaphore_mem>>) src(%dma_wait3A_117 : memref<800xi32, #tpu.memory_space<hbm>>) dst(%arg11 : memref<800xi32, #tpu.memory_space<vmem>>)
        %scan3A_118 = arith.constant 0 : i32
        %scan3A_119 = arith.constant 50 : i32
        %scan3A_120 = arith.addi %scan3A_118, %scan3A_119 : i32
        %scan3A_121 = arith.constant 1 : i32
        scf.for %scan3A_140 = %scan3A_118 to %scan3A_120 step %scan3A_121  : i32 {
          %mul3A_141 = arith.constant 1 : i32
          %mul3A_142 = arith.muli %scan3A_140, %mul3A_141 : i32
          %add3A_143 = arith.constant 0 : i32
          %add3A_144 = arith.addi %add3A_143, %mul3A_142 : i32
          %mul3A_145 = arith.constant 16 : i32
          %mul3A_146 = arith.muli %add3A_144, %mul3A_145 : i32
          %get3A = arith.index_cast %mul3A_146 : i32 to index
          %get3A_147 = tpu.vector_load %arg9[%get3A] {strides = array<i32>} : memref<800xi32, #tpu.memory_space<vmem>>, vector<16xi32>,
          %gather3A = tpu.vector_load_idx %arg7[%get3A_147] : memref<100000xi32, #tpu.memory_space<vmem>>[vector<16xi32>], vector<16xi32>,
          %shift_left3A = arith.constant 16 : i32
          %shift_left3A_148 = vector.broadcast %shift_left3A : i32 to vector<16xi32>
          %shift_left3A_149 = arith.shli %gather3A, %shift_left3A_148 : vector<16xi32>
          %bitcast3A = vector.bitcast %shift_left3A_149 : vector<16xi32> to vector<16xf32>
          %and3A = arith.constant -65536 : i32
          %and3A_150 = vector.broadcast %and3A : i32 to vector<16xi32>
          %and3A_151 = arith.andi %gather3A, %and3A_150 : vector<16xi32>
          %bitcast3A_152 = vector.bitcast %and3A_151 : vector<16xi32> to vector<16xf32>
          %swap3A = arith.index_cast %mul3A_146 : i32 to index
          %swap3A_153 = tpu.vector_load %arg15[%swap3A] {strides = array<i32>} : memref<800xf32, #tpu.memory_space<vmem>>, vector<16xf32>,
          tpu.vector_store %arg15[%swap3A], %bitcast3A {strides = array<i32>} : memref<800xf32, #tpu.memory_space<vmem>>, vector<16xf32>,
          %swap3A_154 = arith.index_cast %mul3A_146 : i32 to index
          %swap3A_155 = tpu.vector_load %arg17[%swap3A_154] {strides = array<i32>} : memref<800xf32, #tpu.memory_space<vmem>>, vector<16xf32>,
          tpu.vector_store %arg17[%swap3A_154], %bitcast3A_152 {strides = array<i32>} : memref<800xf32, #tpu.memory_space<vmem>>, vector<16xf32>,
        }
        %scan3A_122 = arith.constant 50 : i32
        %dma_start3A_123 = arith.constant 0 : i32
        %dma_start3A_124 = tpu.memref_slice %arg19[%dma_start3A_123] : memref<102400xf32, #tpu.memory_space<vmem_shared>> -> memref<102400xf32, #tpu.memory_space<vmem_shared>>
        tpu.enqueue_indirect_dma source(%arg15 : memref<800xf32, #tpu.memory_space<vmem>>) target(%dma_start3A_124 : memref<102400xf32, #tpu.memory_space<vmem_shared>>) offsets(%arg11 : memref<800xi32, #tpu.memory_space<vmem>>) semaphore(%arg24 : memref<!tpu.dma_semaphore, #tpu.memory_space<semaphore_mem>>) {add = true}
        %dma_start3A_125 = arith.constant 0 : i32
        %dma_start3A_126 = tpu.memref_slice %arg20[%dma_start3A_125] : memref<102400xf32, #tpu.memory_space<vmem_shared>> -> memref<102400xf32, #tpu.memory_space<vmem_shared>>
        tpu.enqueue_indirect_dma source(%arg17 : memref<800xf32, #tpu.memory_space<vmem>>) target(%dma_start3A_126 : memref<102400xf32, #tpu.memory_space<vmem_shared>>) offsets(%arg11 : memref<800xi32, #tpu.memory_space<vmem>>) semaphore(%arg24 : memref<!tpu.dma_semaphore, #tpu.memory_space<semaphore_mem>>) {add = true}
        %dma_start3A_127 = arith.constant 0 : i32
        %dma_start3A_128 = tpu.memref_slice %arg21[%dma_start3A_127] : memref<102400xf32, #tpu.memory_space<vmem_shared>> -> memref<102400xf32, #tpu.memory_space<vmem_shared>>
        tpu.enqueue_indirect_dma source(%arg18 : memref<800xf32, #tpu.memory_space<vmem>>) target(%dma_start3A_128 : memref<102400xf32, #tpu.memory_space<vmem_shared>>) offsets(%arg11 : memref<800xi32, #tpu.memory_space<vmem>>) semaphore(%arg24 : memref<!tpu.dma_semaphore, #tpu.memory_space<semaphore_mem>>) {add = true}
        %dma_wait3A_129 = arith.constant 0 : i32
        %dma_wait3A_130 = tpu.memref_slice %arg19[%dma_wait3A_129] : memref<102400xf32, #tpu.memory_space<vmem_shared>> -> memref<102400xf32, #tpu.memory_space<vmem_shared>>
        tpu.wait_indirect_dma semaphore(%arg23 : memref<!tpu.dma_semaphore, #tpu.memory_space<semaphore_mem>>) src(%arg14 : memref<800xf32, #tpu.memory_space<vmem>>) dst(%dma_wait3A_130 : memref<102400xf32, #tpu.memory_space<vmem_shared>>)
        %dma_wait3A_131 = arith.constant 0 : i32
        %dma_wait3A_132 = tpu.memref_slice %arg20[%dma_wait3A_131] : memref<102400xf32, #tpu.memory_space<vmem_shared>> -> memref<102400xf32, #tpu.memory_space<vmem_shared>>
        tpu.wait_indirect_dma semaphore(%arg23 : memref<!tpu.dma_semaphore, #tpu.memory_space<semaphore_mem>>) src(%arg16 : memref<800xf32, #tpu.memory_space<vmem>>) dst(%dma_wait3A_132 : memref<102400xf32, #tpu.memory_space<vmem_shared>>)
        %dma_wait3A_133 = arith.constant 0 : i32
        %dma_wait3A_134 = tpu.memref_slice %arg21[%dma_wait3A_133] : memref<102400xf32, #tpu.memory_space<vmem_shared>> -> memref<102400xf32, #tpu.memory_space<vmem_shared>>
        tpu.wait_indirect_dma semaphore(%arg23 : memref<!tpu.dma_semaphore, #tpu.memory_space<semaphore_mem>>) src(%arg18 : memref<800xf32, #tpu.memory_space<vmem>>) dst(%dma_wait3A_134 : memref<102400xf32, #tpu.memory_space<vmem_shared>>)
        %lt3A_135 = arith.constant 124 : i32
        %lt3A_136 = arith.cmpi slt, %add3A_59, %lt3A_135 : i32
        %convert_element_type3A_137 = arith.extui %lt3A_136 : i1 to i32
        %cond3A_138 = arith.constant 0 : i32
        %cond3A_139 = arith.cmpi ne, %convert_element_type3A_137, %cond3A_138 : i32
        scf.if %cond3A_139 {
          %mul3A_140 = arith.constant 2 : i32
          %mul3A_141 = arith.muli %mul3A_140, %add3A_59 : i32
          %add3A_142 = arith.constant 2 : i32
          %add3A_143 = arith.addi %mul3A_141, %add3A_142 : i32
          %mul3A_144 = arith.constant 800 : i32
          %mul3A_145 = arith.muli %add3A_143, %mul3A_144 : i32
          %add3A_146 = arith.addi %mul3A_14, %mul3A_145 : i32
          %add3A_147 = arith.constant 0 : i32
          %add3A_148 = arith.addi %add3A_147, %add3A_146 : i32
          %dma_start3A_149 = tpu.memref_slice %arg2[%add3A_148] : memref<12800000xi32, #tpu.memory_space<hbm>> -> memref<800xi32, #tpu.memory_space<hbm>>
          %dma_start3A_150 = tpu.memref_slice %arg2[%add3A_148] : memref<12800000xi32, #tpu.memory_space<hbm>> -> memref<800xi32, #tpu.memory_space<hbm>>
          tpu.enqueue_dma source(%dma_start3A_150 : memref<800xi32, #tpu.memory_space<hbm>>) target(%arg8 : memref<800xi32, #tpu.memory_space<vmem>>) target_semaphore(%arg22 : memref<!tpu.dma_semaphore, #tpu.memory_space<semaphore_mem>>)
          %add3A_151 = arith.constant 6400000 : i32
          %add3A_152 = arith.addi %add3A_151, %add3A_146 : i32
          %dma_start3A_153 = tpu.memref_slice %arg2[%add3A_152] : memref<12800000xi32, #tpu.memory_space<hbm>> -> memref<800xi32, #tpu.memory_space<hbm>>
          %dma_start3A_154 = tpu.memref_slice %arg2[%add3A_152] : memref<12800000xi32, #tpu.memory_space<hbm>> -> memref<800xi32, #tpu.memory_space<hbm>>
          tpu.enqueue_dma source(%dma_start3A_154 : memref<800xi32, #tpu.memory_space<hbm>>) target(%arg10 : memref<800xi32, #tpu.memory_space<vmem>>) target_semaphore(%arg22 : memref<!tpu.dma_semaphore, #tpu.memory_space<semaphore_mem>>)
        } else {
        }
      }
      %scan3A_48 = arith.constant 125 : i32
      %dma_wait3A_49 = arith.constant 0 : i32
      %dma_wait3A_50 = tpu.memref_slice %arg19[%dma_wait3A_49] : memref<102400xf32, #tpu.memory_space<vmem_shared>> -> memref<102400xf32, #tpu.memory_space<vmem_shared>>
      tpu.wait_indirect_dma semaphore(%arg24 : memref<!tpu.dma_semaphore, #tpu.memory_space<semaphore_mem>>) src(%arg15 : memref<800xf32, #tpu.memory_space<vmem>>) dst(%dma_wait3A_50 : memref<102400xf32, #tpu.memory_space<vmem_shared>>)
      %dma_wait3A_51 = arith.constant 0 : i32
      %dma_wait3A_52 = tpu.memref_slice %arg20[%dma_wait3A_51] : memref<102400xf32, #tpu.memory_space<vmem_shared>> -> memref<102400xf32, #tpu.memory_space<vmem_shared>>
      tpu.wait_indirect_dma semaphore(%arg24 : memref<!tpu.dma_semaphore, #tpu.memory_space<semaphore_mem>>) src(%arg17 : memref<800xf32, #tpu.memory_space<vmem>>) dst(%dma_wait3A_52 : memref<102400xf32, #tpu.memory_space<vmem_shared>>)
      %dma_wait3A_53 = arith.constant 0 : i32
      %dma_wait3A_54 = tpu.memref_slice %arg21[%dma_wait3A_53] : memref<102400xf32, #tpu.memory_space<vmem_shared>> -> memref<102400xf32, #tpu.memory_space<vmem_shared>>
      tpu.wait_indirect_dma semaphore(%arg24 : memref<!tpu.dma_semaphore, #tpu.memory_space<semaphore_mem>>) src(%arg18 : memref<800xf32, #tpu.memory_space<vmem>>) dst(%dma_wait3A_54 : memref<102400xf32, #tpu.memory_space<vmem_shared>>)
    } else {
    }
    %barrier3A_21 = arith.constant 0 : index
    tpu.barrier barrier_id(%barrier3A_21)
    %mul3A_22 = arith.constant 3 : i32
    %mul3A_23 = arith.muli %arg0, %mul3A_22 : i32
    %add3A_24 = arith.constant 0 : i32
    %add3A_25 = arith.addi %mul3A_23, %add3A_24 : i32
    "tpu.region"() ({
      %run_scoped3A = tpu.sem_alloc : memref<!tpu.dma_semaphore, #tpu.memory_space<semaphore_mem>>
      %dma_start3A_34 = tpu.memref_slice %arg6[%add3A_25, %mul3A_2] : memref<6x102400xf32, #tpu.memory_space<hbm>> -> memref<1x6400xf32, #tpu.memory_space<hbm>>
      %dma_start3A_35 = tpu.memref_squeeze %dma_start3A_34 : memref<1x6400xf32, #tpu.memory_space<hbm>> -> memref<6400xf32, #tpu.memory_space<hbm>>
      %dma_start3A_36 = tpu.memref_slice %arg19[%mul3A_2] : memref<102400xf32, #tpu.memory_space<vmem_shared>> -> memref<6400xf32, #tpu.memory_space<vmem_shared>>
      tpu.enqueue_dma source(%dma_start3A_36 : memref<6400xf32, #tpu.memory_space<vmem_shared>>) target(%dma_start3A_35 : memref<6400xf32, #tpu.memory_space<hbm>>) target_semaphore(%run_scoped3A : memref<!tpu.dma_semaphore, #tpu.memory_space<semaphore_mem>>)
      %dma_wait3A_37 = tpu.memref_slice %arg6[%add3A_25, %mul3A_2] : memref<6x102400xf32, #tpu.memory_space<hbm>> -> memref<1x6400xf32, #tpu.memory_space<hbm>>
      %dma_wait3A_38 = tpu.memref_squeeze %dma_wait3A_37 : memref<1x6400xf32, #tpu.memory_space<hbm>> -> memref<6400xf32, #tpu.memory_space<hbm>>
      %dma_wait3A_39 = tpu.memref_slice %arg19[%mul3A_2] : memref<102400xf32, #tpu.memory_space<vmem_shared>> -> memref<6400xf32, #tpu.memory_space<vmem_shared>>
      tpu.wait_dma2 semaphore(%run_scoped3A : memref<!tpu.dma_semaphore, #tpu.memory_space<semaphore_mem>>) src(%dma_wait3A_39 : memref<6400xf32, #tpu.memory_space<vmem_shared>>) dst(%dma_wait3A_38 : memref<6400xf32, #tpu.memory_space<hbm>>)
      tpu.yield
    }) : () -> ()
    %mul3A_26 = arith.constant 3 : i32
    %mul3A_27 = arith.muli %arg0, %mul3A_26 : i32
    %add3A_28 = arith.constant 1 : i32
    %add3A_29 = arith.addi %mul3A_27, %add3A_28 : i32
    "tpu.region"() ({
      %run_scoped3A = tpu.sem_alloc : memref<!tpu.dma_semaphore, #tpu.memory_space<semaphore_mem>>
      %dma_start3A_34 = tpu.memref_slice %arg6[%add3A_29, %mul3A_2] : memref<6x102400xf32, #tpu.memory_space<hbm>> -> memref<1x6400xf32, #tpu.memory_space<hbm>>
      %dma_start3A_35 = tpu.memref_squeeze %dma_start3A_34 : memref<1x6400xf32, #tpu.memory_space<hbm>> -> memref<6400xf32, #tpu.memory_space<hbm>>
      %dma_start3A_36 = tpu.memref_slice %arg20[%mul3A_2] : memref<102400xf32, #tpu.memory_space<vmem_shared>> -> memref<6400xf32, #tpu.memory_space<vmem_shared>>
      tpu.enqueue_dma source(%dma_start3A_36 : memref<6400xf32, #tpu.memory_space<vmem_shared>>) target(%dma_start3A_35 : memref<6400xf32, #tpu.memory_space<hbm>>) target_semaphore(%run_scoped3A : memref<!tpu.dma_semaphore, #tpu.memory_space<semaphore_mem>>)
      %dma_wait3A_37 = tpu.memref_slice %arg6[%add3A_29, %mul3A_2] : memref<6x102400xf32, #tpu.memory_space<hbm>> -> memref<1x6400xf32, #tpu.memory_space<hbm>>
      %dma_wait3A_38 = tpu.memref_squeeze %dma_wait3A_37 : memref<1x6400xf32, #tpu.memory_space<hbm>> -> memref<6400xf32, #tpu.memory_space<hbm>>
      %dma_wait3A_39 = tpu.memref_slice %arg20[%mul3A_2] : memref<102400xf32, #tpu.memory_space<vmem_shared>> -> memref<6400xf32, #tpu.memory_space<vmem_shared>>
      tpu.wait_dma2 semaphore(%run_scoped3A : memref<!tpu.dma_semaphore, #tpu.memory_space<semaphore_mem>>) src(%dma_wait3A_39 : memref<6400xf32, #tpu.memory_space<vmem_shared>>) dst(%dma_wait3A_38 : memref<6400xf32, #tpu.memory_space<hbm>>)
      tpu.yield
    }) : () -> ()
    %mul3A_30 = arith.constant 3 : i32
    %mul3A_31 = arith.muli %arg0, %mul3A_30 : i32
    %add3A_32 = arith.constant 2 : i32
    %add3A_33 = arith.addi %mul3A_31, %add3A_32 : i32
    "tpu.region"() ({
      %run_scoped3A = tpu.sem_alloc : memref<!tpu.dma_semaphore, #tpu.memory_space<semaphore_mem>>
      %dma_start3A_34 = tpu.memref_slice %arg6[%add3A_33, %mul3A_2] : memref<6x102400xf32, #tpu.memory_space<hbm>> -> memref<1x6400xf32, #tpu.memory_space<hbm>>
      %dma_start3A_35 = tpu.memref_squeeze %dma_start3A_34 : memref<1x6400xf32, #tpu.memory_space<hbm>> -> memref<6400xf32, #tpu.memory_space<hbm>>
      %dma_start3A_36 = tpu.memref_slice %arg21[%mul3A_2] : memref<102400xf32, #tpu.memory_space<vmem_shared>> -> memref<6400xf32, #tpu.memory_space<vmem_shared>>
      tpu.enqueue_dma source(%dma_start3A_36 : memref<6400xf32, #tpu.memory_space<vmem_shared>>) target(%dma_start3A_35 : memref<6400xf32, #tpu.memory_space<hbm>>) target_semaphore(%run_scoped3A : memref<!tpu.dma_semaphore, #tpu.memory_space<semaphore_mem>>)
      %dma_wait3A_37 = tpu.memref_slice %arg6[%add3A_33, %mul3A_2] : memref<6x102400xf32, #tpu.memory_space<hbm>> -> memref<1x6400xf32, #tpu.memory_space<hbm>>
      %dma_wait3A_38 = tpu.memref_squeeze %dma_wait3A_37 : memref<1x6400xf32, #tpu.memory_space<hbm>> -> memref<6400xf32, #tpu.memory_space<hbm>>
      %dma_wait3A_39 = tpu.memref_slice %arg21[%mul3A_2] : memref<102400xf32, #tpu.memory_space<vmem_shared>> -> memref<6400xf32, #tpu.memory_space<vmem_shared>>
      tpu.wait_dma2 semaphore(%run_scoped3A : memref<!tpu.dma_semaphore, #tpu.memory_space<semaphore_mem>>) src(%dma_wait3A_39 : memref<6400xf32, #tpu.memory_space<vmem_shared>>) dst(%dma_wait3A_38 : memref<6400xf32, #tpu.memory_space<hbm>>)
      tpu.yield
    }) : () -> ()
    return
  }
}

module attributes {stable_mosaic.version = 14 : i64} {
  func.func @_pack_body(%arg0: memref<102400xf32, #tpu.memory_space<vmem>>, %arg1: memref<102400xf32, #tpu.memory_space<vmem>>, %arg2: memref<102400xi32, #tpu.memory_space<vmem>>) attributes {dimension_semantics = [], scalar_prefetch = 0 : i64, scratch_operands = 0 : i64, tpu.core_type = #tpu.core_type<tc>} {
    %get3A = arith.constant 0 : index
    %get3A_0 = vector.load %arg0[%get3A] : memref<102400xf32, #tpu.memory_space<vmem>>, vector<102400xf32>
    %get3A_1 = arith.constant 0 : index
    %get3A_2 = vector.load %arg1[%get3A_1] : memref<102400xf32, #tpu.memory_space<vmem>>, vector<102400xf32>
    %min3A = arith.minimumf %get3A_0, %get3A_2 : vector<102400xf32>
    %sub3A = arith.constant 1.000000e+00 : f32
    %sub3A_3 = vector.broadcast %sub3A : f32 to vector<102400xf32>
    %sub3A_4 = arith.subf %sub3A_3, %min3A : vector<102400xf32>
    %max3A = arith.maximumf %get3A_0, %get3A_2 : vector<102400xf32>
    %sub3A_5 = arith.constant 1.000000e+00 : f32
    %sub3A_6 = vector.broadcast %sub3A_5 : f32 to vector<102400xf32>
    %sub3A_7 = arith.subf %sub3A_6, %max3A : vector<102400xf32>
    %bitcast_convert_type3A = tpu.bitcast %sub3A_4 : vector<102400xf32> -> vector<102400xi32>
    %bitcast_convert_type3A_8 = tpu.bitcast %sub3A_7 : vector<102400xf32> -> vector<102400xi32>
    %add3A = arith.constant 32767 : i32
    %add3A_9 = vector.broadcast %add3A : i32 to vector<102400xi32>
    %add3A_10 = arith.addi %bitcast_convert_type3A, %add3A_9 : vector<102400xi32>
    %shift_right_arithmetic3A = arith.constant 16 : i32
    %shift_right_arithmetic3A_11 = vector.broadcast %shift_right_arithmetic3A : i32 to vector<102400xi32>
    %shift_right_arithmetic3A_12 = arith.shrsi %bitcast_convert_type3A, %shift_right_arithmetic3A_11 : vector<102400xi32>
    %and3A = arith.constant 1 : i32
    %and3A_13 = vector.broadcast %and3A : i32 to vector<102400xi32>
    %and3A_14 = arith.andi %shift_right_arithmetic3A_12, %and3A_13 : vector<102400xi32>
    %add3A_15 = arith.addi %add3A_10, %and3A_14 : vector<102400xi32>
    %shift_right_arithmetic3A_16 = arith.constant 16 : i32
    %shift_right_arithmetic3A_17 = vector.broadcast %shift_right_arithmetic3A_16 : i32 to vector<102400xi32>
    %shift_right_arithmetic3A_18 = arith.shrsi %add3A_15, %shift_right_arithmetic3A_17 : vector<102400xi32>
    %add3A_19 = arith.constant 32767 : i32
    %add3A_20 = vector.broadcast %add3A_19 : i32 to vector<102400xi32>
    %add3A_21 = arith.addi %bitcast_convert_type3A_8, %add3A_20 : vector<102400xi32>
    %shift_right_arithmetic3A_22 = arith.constant 16 : i32
    %shift_right_arithmetic3A_23 = vector.broadcast %shift_right_arithmetic3A_22 : i32 to vector<102400xi32>
    %shift_right_arithmetic3A_24 = arith.shrsi %bitcast_convert_type3A_8, %shift_right_arithmetic3A_23 : vector<102400xi32>
    %and3A_25 = arith.constant 1 : i32
    %and3A_26 = vector.broadcast %and3A_25 : i32 to vector<102400xi32>
    %and3A_27 = arith.andi %shift_right_arithmetic3A_24, %and3A_26 : vector<102400xi32>
    %add3A_28 = arith.addi %add3A_21, %and3A_27 : vector<102400xi32>
    %shift_right_arithmetic3A_29 = arith.constant 16 : i32
    %shift_right_arithmetic3A_30 = vector.broadcast %shift_right_arithmetic3A_29 : i32 to vector<102400xi32>
    %shift_right_arithmetic3A_31 = arith.shrsi %add3A_28, %shift_right_arithmetic3A_30 : vector<102400xi32>
    %shift_left3A = arith.constant 16 : i32
    %shift_left3A_32 = vector.broadcast %shift_left3A : i32 to vector<102400xi32>
    %shift_left3A_33 = arith.shli %shift_right_arithmetic3A_31, %shift_left3A_32 : vector<102400xi32>
    %and3A_34 = arith.constant 65535 : i32
    %and3A_35 = vector.broadcast %and3A_34 : i32 to vector<102400xi32>
    %and3A_36 = arith.andi %shift_right_arithmetic3A_18, %and3A_35 : vector<102400xi32>
    %or3A = arith.ori %shift_left3A_33, %and3A_36 : vector<102400xi32>
    %swap3A = arith.constant 0 : index
    %swap3A_37 = vector.load %arg2[%swap3A] : memref<102400xi32, #tpu.memory_space<vmem>>, vector<102400xi32>
    tpu.vector_store %arg2[%swap3A], %or3A {strides = array<i32>} : memref<102400xi32, #tpu.memory_space<vmem>>, vector<102400xi32>,
    return
  }
}

module attributes {stable_mosaic.version = 14 : i64} {
  func.func @_combine_body(%arg0: memref<6x102400xf32, #tpu.memory_space<vmem>>, %arg1: memref<100000xf32, #tpu.memory_space<vmem>>, %arg2: memref<100000xf32, #tpu.memory_space<vmem>>, %arg3: memref<100000xf32, #tpu.memory_space<vmem>>) attributes {dimension_semantics = [], scalar_prefetch = 0 : i64, scratch_operands = 0 : i64, tpu.core_type = #tpu.core_type<tc>} {
    %get3A = arith.constant 0 : index
    %get3A_0 = arith.constant 0 : index
    %get3A_1 = vector.load %arg0[%get3A, %get3A_0] : memref<6x102400xf32, #tpu.memory_space<vmem>>, vector<1x100000xf32>
    %get3A_2 = vector.shape_cast %get3A_1 : vector<1x100000xf32> to vector<100000xf32>
    %get3A_3 = arith.constant 3 : index
    %get3A_4 = arith.constant 0 : index
    %get3A_5 = vector.load %arg0[%get3A_3, %get3A_4] : memref<6x102400xf32, #tpu.memory_space<vmem>>, vector<1x100000xf32>
    %get3A_6 = vector.shape_cast %get3A_5 : vector<1x100000xf32> to vector<100000xf32>
    %add3A = arith.addf %get3A_2, %get3A_6 : vector<100000xf32>
    %get3A_7 = arith.constant 1 : index
    %get3A_8 = arith.constant 0 : index
    %get3A_9 = vector.load %arg0[%get3A_7, %get3A_8] : memref<6x102400xf32, #tpu.memory_space<vmem>>, vector<1x100000xf32>
    %get3A_10 = vector.shape_cast %get3A_9 : vector<1x100000xf32> to vector<100000xf32>
    %get3A_11 = arith.constant 4 : index
    %get3A_12 = arith.constant 0 : index
    %get3A_13 = vector.load %arg0[%get3A_11, %get3A_12] : memref<6x102400xf32, #tpu.memory_space<vmem>>, vector<1x100000xf32>
    %get3A_14 = vector.shape_cast %get3A_13 : vector<1x100000xf32> to vector<100000xf32>
    %add3A_15 = arith.addf %get3A_10, %get3A_14 : vector<100000xf32>
    %get3A_16 = arith.constant 2 : index
    %get3A_17 = arith.constant 0 : index
    %get3A_18 = vector.load %arg0[%get3A_16, %get3A_17] : memref<6x102400xf32, #tpu.memory_space<vmem>>, vector<1x100000xf32>
    %get3A_19 = vector.shape_cast %get3A_18 : vector<1x100000xf32> to vector<100000xf32>
    %get3A_20 = arith.constant 5 : index
    %get3A_21 = arith.constant 0 : index
    %get3A_22 = vector.load %arg0[%get3A_20, %get3A_21] : memref<6x102400xf32, #tpu.memory_space<vmem>>, vector<1x100000xf32>
    %get3A_23 = vector.shape_cast %get3A_22 : vector<1x100000xf32> to vector<100000xf32>
    %add3A_24 = arith.addf %get3A_19, %get3A_23 : vector<100000xf32>
    %max3A = arith.constant 9.99999997E-7 : f32
    %max3A_25 = vector.broadcast %max3A : f32 to vector<100000xf32>
    %max3A_26 = arith.maximumf %add3A_24, %max3A_25 : vector<100000xf32>
    %get3A_27 = arith.constant 0 : index
    %get3A_28 = vector.load %arg1[%get3A_27] : memref<100000xf32, #tpu.memory_space<vmem>>, vector<100000xf32>
    %div3A = arith.divf %add3A, %max3A_26 : vector<100000xf32>
    %sub3A = arith.subf %get3A_28, %div3A : vector<100000xf32>
    %jit3A = arith.constant 0.000000e+00 : f32
    %jit3A_29 = arith.constant 1.000000e+00 : f32
    %max3A_30 = vector.broadcast %jit3A : f32 to vector<100000xf32>
    %max3A_31 = arith.maximumf %max3A_30, %sub3A : vector<100000xf32>
    %min3A = vector.broadcast %jit3A_29 : f32 to vector<100000xf32>
    %min3A_32 = arith.minimumf %min3A, %max3A_31 : vector<100000xf32>
    %swap3A = arith.constant 0 : index
    %swap3A_33 = vector.load %arg2[%swap3A] : memref<100000xf32, #tpu.memory_space<vmem>>, vector<100000xf32>
    tpu.vector_store %arg2[%swap3A], %min3A_32 {strides = array<i32>} : memref<100000xf32, #tpu.memory_space<vmem>>, vector<100000xf32>,
    %div3A_34 = arith.divf %add3A_15, %max3A_26 : vector<100000xf32>
    %sub3A_35 = arith.subf %get3A_28, %div3A_34 : vector<100000xf32>
    %jit3A_36 = arith.constant 0.000000e+00 : f32
    %jit3A_37 = arith.constant 1.000000e+00 : f32
    %max3A_38 = vector.broadcast %jit3A_36 : f32 to vector<100000xf32>
    %max3A_39 = arith.maximumf %max3A_38, %sub3A_35 : vector<100000xf32>
    %min3A_40 = vector.broadcast %jit3A_37 : f32 to vector<100000xf32>
    %min3A_41 = arith.minimumf %min3A_40, %max3A_39 : vector<100000xf32>
    %swap3A_42 = arith.constant 0 : index
    %swap3A_43 = vector.load %arg3[%swap3A_42] : memref<100000xf32, #tpu.memory_space<vmem>>, vector<100000xf32>
    tpu.vector_store %arg3[%swap3A_42], %min3A_41 {strides = array<i32>} : memref<100000xf32, #tpu.memory_space<vmem>>, vector<100000xf32>,
    return
  }
}

</mosaic_0001>

<sc_bundles>
// kernel: kernel.5.cloned.1.call-start
scs
__scs_entry_jumppad:
0x0: {  	(pc) =	sbr.rel $0x88, $3  }
0x1: {  	(tag) =	ssettag $0x0;
	lr =	simm.s32 $0x1  }
0x2: {  	[smem:$0x3F9C] =	sst lr;
	_ =	strace $0xD0000000  }
0x3: {  	_ = 	snop  }
0x4: {  	_ = 	snop  }
0x5: {  	_ = 	snop  }
0x6: {  	_ = 	snop  }
0x7: {  	_ = 	snop  }
__scs_overlays_trampoline_lowered:
0x8: {  	[smem:$0x3FAB] =	sst s0  }
0x9: {  	[smem:$0x3FAC] =	sst s1  }
0xa: {  	[smem:$0x3FAD] =	sst s2  }
0xb: {  	[smem:$0x3FAE] =	sst s3  }
0xc: {  	[smem:$0x3FAF] =	sst s4  }
0xd: {  	[smem:$0x3FB0] =	sst s5  }
0xe: {  	[smem:$0x3FB1] =	sst s6  }
0xf: {  	[smem:$0x3FB2] =	sst s7  }
0x10: {  	[smem:$0x3FB3] =	sst s8  }
0x11: {  	[smem:$0x3FB4] =	sst s9;
	s0 =	simm.s32 @!p0 $0x0  }
0x12: {  	s1 =	sld [smem:$0x3F9A];
	s0 =	simm.s32 @p0 $0x1  }
0x13: {  	[smem:$0x3FB5] =	sst s0;
	s0 =	simm.s32 @!p1 $0x0  }
0x14: {  	s2 =	sld [smem:$0x3F99];
	s0 =	simm.s32 @p1 $0x1  }
0x15: {  	[smem:$0x3FB6] =	sst s0;
	s0 =	simm.s32 @!p2 $0x0  }
0x16: {  	s3 =	sld [smem:$0x3FDB];
	s0 =	simm.s32 @p2 $0x1  }
0x17: {  	s4 =	simm.s32 $0x1BF5;
	[smem:$0x3FB8] =	sst s0  }
0x18: {  	s0 =	sld [smem:$0x3F9B];
	_ =	swait.ge [sflag:s4], $0x0  }
0x19: {  	s7 =	sld [smem:$0x3F9C]  }
0x1a: {  	s8 =	sadd.s32 $0xFFFFE003, lr  }
0x1b: {  	s9 =	sadd.s32 $0xFFFFFEF7, lr;
	s5 =	simm.s32 $0xFFFFFFFF;
	p2 =	slt.u32 s8, $0xFFFFF086  }
0x1c: {  	p1 =	slt.u32 s9, $0xF7A;
	s5 =	simm.s32 @!p2 $0x0  }
0x1d: {  	s5 =	simm.s32 @p1 $0x1;
	p0 =	seq.s32 s7, s2  }
0x1e: {  	s7 =	smul.u32 @!p0 $0xF7A, s2;
	p2 =	seq.s32 @!p0 s5, $0x0  }
0x1f: {  	s9 =	smul.u32 $0xF7A, s1;
	s8 =	simm.s32 @!p0 $0x1BF5;
	p2 =	por !p2, p0  }
0x20: {  	[sflag:s8] =	ssyncset.s32 @!p0 $0xFFFFF086;
	s6 =	sadd.s32 @!p0 s3, s7;
	s7 =	simm.s32 @!p0 $0x108  }
0x21: {  	s3 =	sadd.s32 s3, s9;
	s6 =	sadd.s32 @!p0 $0x88, s6;
	s7 =	simm.s32 @p2 $0x1082  }
0x22: {  	[simem:s7], [sflag:s8] =	dma.local @!p0 [hbm:s6], $0xF7A  }
0x23: {  	s9 =	sor.u32 $0xD0000000, s2;
	s6 =	simm.s32 $0x108;
	_ =	swait.ge @!p0 [sflag:s8], $0x0  }
0x24: {  	s3 =	sadd.s32 $0x88, s3;
	s6 =	simm.s32 @!p1 $0x1082;
	[sflag:s4] =	ssyncset.s32 $0xFFFFF086  }
0x25: {  	[simem:s6], [sflag:s4] =	dma.local [hbm:s3], $0xF7A  }
0x26: {  	[smem:$0x3F9C] =	sst s1;
	(tag) =	ssettag s2;
	_ =	strace s9  }
0x27: {  	s1 =	sld [smem:$0x3FAC]  }
0x28: {  	s2 =	sld [smem:$0x3FAD]  }
0x29: {  	s4 =	sld [smem:$0x3FAF]  }
0x2a: {  	p0 =	seq.s32 s5, $0x0;
	s5 =	sld [smem:$0x3FB0]  }
0x2b: {  	s6 =	sld [smem:$0x3FB1]  }
0x2c: {  	s7 =	sld [smem:$0x3FB2]  }
0x2d: {  	s3 =	simm.s32 $0x108;
	s8 =	sld [smem:$0x3FB3]  }
0x2e: {  	s3 =	simm.s32 @!p0 $0x1082;
	s9 =	sld [smem:$0x3FB4]  }
0x2f: {  	lr =	sadd.s32 s0, s3;
	s0 =	sld [smem:$0x3FAB]  }
0x30: {  	s3 =	sld [smem:$0x3FAE]  }
0x31: {  	[smem:$0x3FB7] =	sst s10  }
0x32: {  	s10 =	sld [smem:$0x3FB5];
	_ =	sdelay $0x3  }
0x33: {  	p0 =	seq.s32 s10, $0x1;
	s10 =	sld [smem:$0x3FB7];
	_ =	sdelay $0x3  }
0x34: {  	[smem:$0x3FB7] =	sst s10  }
0x35: {  	s10 =	sld [smem:$0x3FB6];
	_ =	sdelay $0x3  }
0x36: {  	p1 =	seq.s32 s10, $0x1;
	s10 =	sld [smem:$0x3FB7];
	_ =	sdelay $0x3  }
0x37: {  	[smem:$0x3FB7] =	sst s10  }
0x38: {  	s10 =	sld [smem:$0x3FB8]  }
0x39: {  	_ = 	snop;
	(pc) =	sbr.ind lr, $3  }
0x3a: {  	_ = 	snop  }
0x3b: {  	_ = 	snop  }
0x3c: {  	p2 =	seq.s32 s10, $0x1;
	s10 =	sld [smem:$0x3FB7]  }
0x3d: {  	_ =	shalt  }
0x3e: {  	_ =	shalt  }
0x3f: {  	_ =	shalt  }
0x40: {  	_ =	shalt  }
0x41: {  	_ =	shalt  }
0x42: {  	_ =	shalt  }
0x43: {  	_ =	shalt  }
0x44: {  	_ =	shalt  }
0x45: {  	_ =	shalt  }
0x46: {  	_ =	shalt  }
0x47: {  	_ =	shalt  }
0x48: {  	_ =	shalt  }
0x49: {  	_ =	shalt  }
0x4a: {  	_ =	shalt  }
0x4b: {  	_ =	shalt  }
0x4c: {  	_ =	shalt  }
0x4d: {  	_ =	shalt  }
0x4e: {  	_ =	shalt  }
0x4f: {  	_ =	shalt  }
0x50: {  	_ =	shalt  }
0x51: {  	_ =	shalt  }
0x52: {  	_ =	shalt  }
0x53: {  	_ =	shalt  }
0x54: {  	_ =	shalt  }
0x55: {  	_ =	shalt  }
0x56: {  	_ =	shalt  }
0x57: {  	_ =	shalt  }
0x58: {  	_ =	shalt  }
0x59: {  	_ =	shalt  }
0x5a: {  	_ =	shalt  }
0x5b: {  	_ =	shalt  }
0x5c: {  	_ =	shalt  }
0x5d: {  	_ =	shalt  }
0x5e: {  	_ =	shalt  }
0x5f: {  	_ =	shalt  }
0x60: {  	_ =	shalt  }
0x61: {  	_ =	shalt  }
0x62: {  	_ =	shalt  }
0x63: {  	_ =	shalt  }
0x64: {  	_ =	shalt  }
0x65: {  	_ =	shalt  }
0x66: {  	_ =	shalt  }
0x67: {  	_ =	shalt  }
0x68: {  	_ =	shalt  }
0x69: {  	_ =	shalt  }
0x6a: {  	_ =	shalt  }
0x6b: {  	_ =	shalt  }
0x6c: {  	_ =	shalt  }
0x6d: {  	_ =	shalt  }
0x6e: {  	_ =	shalt  }
0x6f: {  	_ =	shalt  }
0x70: {  	_ =	shalt  }
0x71: {  	_ =	shalt  }
0x72: {  	_ =	shalt  }
0x73: {  	_ =	shalt  }
0x74: {  	_ =	shalt  }
0x75: {  	_ =	shalt  }
0x76: {  	_ =	shalt  }
0x77: {  	_ =	shalt  }
0x78: {  	_ =	shalt  }
0x79: {  	_ =	shalt  }
0x7a: {  	_ =	shalt  }
0x7b: {  	_ =	shalt  }
0x7c: {  	_ =	shalt  }
0x7d: {  	_ =	shalt  }
0x7e: {  	_ =	shalt  }
0x7f: {  	_ =	shalt  }
0x80: {  	_ =	shalt  }
0x81: {  	_ =	shalt  }
0x82: {  	_ =	shalt  }
0x83: {  	_ =	shalt  }
0x84: {  	_ =	shalt  }
0x85: {  	_ =	shalt  }
0x86: {  	_ =	shalt  }
0x87: {  	_ =	shalt  }
.Lfunc_end0:
.L_simem_size_0:
called_computation.1_lowered:
.L_overlay_start_0:
0x88: {  	s2 =	sld [smem:$0x3FD9]  }
0x89: {  	s3 =	sld [smem:$0x3FFE];
	_ =	sdelay $0x1  }
0x8a: {  	s1 =	srdreg.scid  }
0x8b: {  	s0 =	sand.u32 $0x1, s1  }
0x8c: {  	s17 =	sshll.u32 s0, $0xA;
	s2 =	sadd.s32 s3, s2  }
0x8d: {  	s2 =	sadd.s32 s2, s17  }
0x8e: {  	[smem:$0x3FC3] =	sst s2  }
0x8f: {  	_ = 	snop  }
0x90: {  	s2 =	sld [smem:$0x3FC7];
	(tm) =	ssettm $0x1  }
0x91: {  	s18 =	sld [smem:$0x3FFB];
	_ =	sdelay $0x3  }
0x92: {  	_ =	strace s18  }
0x93: {  	s3 =	sld [smem:$0x3FFC];
	_ =	sdelay $0x3  }
0x94: {  	_ =	strace s3  }
0x95: {  	s3 =	sld [smem:$0x3FFD];
	_ =	sdelay $0x3  }
0x96: {  	_ =	strace s3  }
0x97: {  	_ =	strace $0x8FFFFFFF  }
0x98: {  	s19 =	sld [smem:$0x3FDB];
	_ =	sdelay $0x1  }
0x99: {  	s4 =	simm.s32 $_scs_section_size  }
0x9a: {  	s5 =	simm.s32 $_size__tile_overlayer_lowered;
	s6 =	simm.s32 $_tile_overlayer_lowered  }
0x9b: {  	s22 =	simm.s32 $0x1BFF;
	s21 =	sshll.u32 s6, $0x1;
	s3 =	sadd.s32 s4, s19  }
0x9c: {  	s7 =	simm.s32 $0x0;
	s20 =	sshll.u32 s5, $0x1;
	s5 =	sadd.s32 s21, s3  }
0x9d: {  	[timem:s7], [sflag:s22] =	dma.local [hbm:s5], s20  }
0x9e: {  	_ =	swait.ge [sflag:s22], s20  }
0x9f: {  	s4 =	ssub.s32 $0x0, s20;
	[sflag:s22] =	ssyncset.done $0x0  }
0xa0: {  	[sflag:s22] =	ssyncadd.s32 s4;
	_ =	sdelay $0x1  }
0xa1: {  	s23 =	simm.s32 $0x1B8B  }
0xa2: {  	_ =	swait.ge [sflag:s23], $0x1  }
0xa3: {  	[sflag:s23] =	ssyncset.done $0x0  }
0xa4: {  	s25 =	simm.s32 $0x1B8E;
	s24 =	sld [smem:$0x3FFE];
	[sflag:s23] =	ssyncadd.s32 $0xFFFFFFFF  }
0xa5: {  	s26 =	simm.s32 $execute0_lowered;
	[smem:$0x3FD2] =	sst s25  }
0xa6: {  	s5 =	sshll.u32 s26, $0x1;
	_ =	strace $0x80000049;
	[dreg:$0x1] =	wrdreg $0xFFFFFFFF  }
0xa7: {  	s28 =	simm.s32 $_size_execute0_lowered;
	s3 =	sadd.s32 s3, s5;
	[dreg:$0x0] =	wrdreg $0x0  }
0xa8: {  	s5 =	sshll.u32 s28, $0x1;
	[dreg:$0x2] =	wrdreg s3  }
0xa9: {  	[dreg:$0x3] =	wrdreg s5  }
0xaa: {  	[dreg:$0x4] =	wrdreg $0xC0  }
0xab: {  	_ =	task [dreg:s7], $0x5FFFF  }
0xac: {  	[dreg:$0x1] =	wrdreg $0xFFFFFFFF  }
0xad: {  	[dreg:$0x0] =	wrdreg $0x60  }
0xae: {  	[dreg:$0x2] =	wrdreg s24  }
0xaf: {  	[dreg:$0x3] =	wrdreg s2  }
0xb0: {  	[dreg:$0x4] =	wrdreg $0x1A9000  }
0xb1: {  	[dreg:$0x5] =	wrdreg $0x1C2000  }
0xb2: {  	[dreg:$0x6] =	wrdreg $0x1DB000  }
0xb3: {  	[dreg:$0x7] =	wrdreg $0x9  }
0xb4: {  	_ =	task.clear_ibuf [dreg:s7], $0x8FFFF;
	_ =	strace $0x90000049  }
0xb5: {  	s29 =	simm.s32 $0x9;
	_ =	strace $0x8000004B  }
0xb6: {  	_ =	swait.ge [sflag:s29], $0x1  }
0xb7: {  	[sflag:s29] =	ssyncadd.s32 $0xFFFFFFFF  }
0xb8: {  	_ =	strace $0x9000004B  }
0xb9: {  	_ =	sfence  }
0xba: {  	s30 =	sld [smem:$0x0];
	_ =	sdelay $0x2  }
0xbb: {  	s31 =	sshll.u32 s1, $0xD;
	s1 =	sshrl.u32 s1, $0x2  }
0xbc: {  	s3 =	sand.u32 $0x4000, s31;
	s1 =	sadd.s32 s1, s30  }
0xbd: {  	s0 =	sor.u32 s3, s0;
	s1 =	sshll.u32 s1, $0x11  }
0xbe: {  	s0 =	sor.u32 s1, s0  }
0xbf: {  	s0 =	sadd.s32 $0x8F2B, s0  }
0xc0: {  	[sflag:s0] =	ssyncadd.remote.s32 $0x1  }
0xc1: {  	_ =	sfence.sel $0xFFFF  }
0xc2: {  	[dreg:$0x0] =	wrdreg $0xFFFFFFFF;
	(pc) =	sbr.abs _section_cstart, $3  }
0xc3: {  	[dreg:$0x1] =	wrdreg $0xFFFFFFFF  }
0xc4: {  	_ =	task.clear_ibuf [dreg:s7], $0x2FFFF;
	_ =	strace $0x9FFFFFFF  }
0xc5: {  	(tm) =	ssettm $0x7FFFFFFF  }
tec
execute0_lowered:
.L_overlay_start_1:
0x0: {  	(tag) =	ssettag $0x1  }
0x1: {  	s0 =	rddreg [dreg:$0x0]  }
0x2: {  	s1 =	rddreg [dreg:$0x1]  }
0x3: {  	s2 =	rddreg [dreg:$0x2]  }
0x4: {  	s4 =	rddreg [dreg:$0x3]  }
0x5: {  	s5 =	rddreg [dreg:$0x4]  }
0x6: {  	s6 =	simm.s32 $0x0;
	s13 =	stileid.u32;
	s3 =	srdreg.scid  }
0x7: {  	s28 =	simm.s32 $0x19320;
	s29 =	simm.s32 $0x320;
	s30 =	simm.s32 $0x19960  }
0x8: {  	s31 =	simm.s32 $0x19FA0;
	[smem:$0x7FF] =	sst s6;
	s8 =	smul.u32 $0x1900, s13  }
0x9: {  	s3 =	sand.u32 $0x1, s3;
	s7 =	sadd.s32 $0x1000, s0;
	s10 =	sadd.s32 $0x187A00, s0  }
0xa: {  	s11 =	sshll.u32 s13, $0x1;
	s20 =	sshll.u32 s13, $0x6;
	p0 =	sgt.u32 s13, $0x7  }
0xb: {  	_ =	strace $0x8000004A;
	s9 =	smul.u32 $0x4B000, s3;
	[dreg:$0x6] =	wrdreg s10  }
0xc: {  	s12 =	ssub.s32 $0x2, s3;
	s3 =	sor.u32 s3, s11;
	s11 =	simm.s32 $0x1A2C0  }
0xd: {  	s17 =	sshrl.u32 s8, $0x3;
	s18 =	sshrl.u32 s12, $0x1;
	s3 =	smul.u32 $0x30D40, s3  }
0xe: {  	s19 =	sadd.s32 s8, s2;
	s14 =	sadd.s32 s8, s4;
	s10 =	sadd.s32 s17, s0  }
0xf: {  	s9 =	sadd.s32 s8, s9;
	[dreg:$0x8] =	wrdreg s14;
	s8 =	sadd.s32 s8, s5  }
0x10: {  	s17 =	simm.s32 $0x19640;
	s14 =	simm.s32 $0x3;
	s9 =	sshrl.u32 s9, $0x3  }
0x11: {  	s10 =	sadd.s32 $0x18AC00, s10;
	s21 =	sshrl.u32 s3, $0x3;
	[dreg:$0x9] =	wrdreg s8  }
0x12: {  	s15 =	sadd.s32 $0x320, s3;
	s16 =	sadd.s32 $0x640, s3;
	s3 =	simm.s32 $0x19000  }
0x13: {  	s0 =	sadd.s32 s9, s0;
	[dreg:$0x7] =	wrdreg s10;
	s22 =	sadd.s32 s7, s21  }
0x14: {  	s9 =	ssub.s32 s12, s18;
	s23 =	sadd.s32 s1, s21;
	[dreg:$0xa] =	wrdreg s22  }
0x15: {  	s10 =	sor.u32 $0x1C04, s20;
	s20 =	sshrl.u32 s19, $0x3;
	[dreg:$0xc] =	wrdreg s23  }
0x16: {  	s12 =	simm.s32 $0x2;
	s8 =	sadd.s32 $0xC3500, s22;
	[dreg:$0x11] =	wrdreg s20  }
0x17: {  	s18 =	simm.s32 $0x1A5E0;
	s24 =	sadd.s32 $0x18DE00, s0;
	[dreg:$0xb] =	wrdreg s8  }
.Ltmp0:
0x18: {  	s25 =	sadd.s32 $0x191000, s0;
	[dreg:$0xd] =	wrdreg s24;
	(pc) =	sbr.rel .LBB2_1-.Ltmp0, $4  }
0x19: {  	s19 =	simm.s32 $0x0;
	s0 =	sadd.s32 $0x194200, s0;
	[dreg:$0xe] =	wrdreg s25  }
0x1a: {  	s26 =	smax.u32 s9, $0x1;
	s23 =	simm.s32 $0x4;
	[dreg:$0xf] =	wrdreg s0  }
0x1b: {  	[dreg:$0x10] =	wrdreg s26;
	s24 =	simm.s32 $0x1;
	s25 =	simm.s32 $0x186A0  }
0x1c: {  	v0 =	vimm.f32 $1.000000000e+00;
	s26 =	simm.s32 $0x18CE0;
	s0 =	simm.s32 $0x189C0;
	s8 =	simm.s32 $0x19C80  }
.LBB2_17:
0x1d: {  	_ =	swait.ge [sflag:s14], $0x320  }
0x1e: {  	[sflag:s14] =	ssyncset.done $0x0  }
0x1f: {  	[sflag:s14] =	ssyncadd.s32 $0xFFFFFCE0  }
0x20: {  	_ =	swait.ge [sflag:s14], $0x320  }
0x21: {  	[sflag:s14] =	ssyncset.done $0x0  }
0x22: {  	[sflag:s14] =	ssyncadd.s32 $0xFFFFFCE0  }
0x23: {  	_ =	swait.ge [sflag:s14], $0x320  }
0x24: {  	[sflag:s14] =	ssyncset.done $0x0  }
0x25: {  	[sflag:s14] =	ssyncadd.s32 $0xFFFFFCE0  }
0x26: {  	[bflag:$0x0] =	sbarrier.arrive $0xFFFF  }
0x27: {  	s9 =	rddreg [dreg:$0xd]  }
0x28: {  	s20 =	rddreg [dreg:$0x11]  }
0x29: {  	[hbm:s9], [sflag:s10] =	dma.local [spmem:s20], $0x320  }
0x2a: {  	_ =	swait.ge [sflag:s23], $0x320  }
0x2b: {  	[sflag:s23] =	ssyncset.done $0x0;
	s22 =	rddreg [dreg:$0xe]  }
0x2c: {  	s13 =	rddreg [dreg:$0x12];
	[sflag:s23] =	ssyncadd.s32 $0xFFFFFCE0  }
0x2d: {  	[hbm:s22], [sflag:s10] =	dma.local [spmem:s13], $0x320  }
0x2e: {  	_ =	swait.ge [sflag:s23], $0x320  }
0x2f: {  	[sflag:s23] =	ssyncset.done $0x0;
	s13 =	rddreg [dreg:$0xf]  }
0x30: {  	s21 =	rddreg [dreg:$0x13];
	[sflag:s23] =	ssyncadd.s32 $0xFFFFFCE0  }
0x31: {  	[hbm:s13], [sflag:s10] =	dma.local [spmem:s21], $0x320  }
0x32: {  	_ =	swait.ge [sflag:s23], $0x320  }
0x33: {  	s19 =	sadd.s32 $0x1, s19;
	s22 =	rddreg [dreg:$0x10]  }
0x34: {  	p1 =	sne.s32 s19, s22  }
.Ltmp1:
0x35: {  	_ = 	snop;
	(pc) =	sbr.rel @!p1 .LBB2_18-.Ltmp1, $3  }
0x36: {  	_ =	sdelay $0x1  }
0x37: {  	[sflag:s23] =	ssyncset.done $0x0  }
0x38: {  	[sflag:s23] =	ssyncadd.s32 $0xFFFFFCE0  }
.LBB2_1:
0x39: {  	s9 =	rddreg [dreg:$0x6]  }
0x3a: {  	s21 =	rddreg [dreg:$0x7]  }
0x3b: {  	[tilespmem:s6], [sflag:$0x1] =	stream.linear.gather [hbm4b:s9+s6], $0x186A0, $0x38;
	[tilespmem:$0x1F400] =	vst v63  }
0x3c: {  	[spmem:s20], [sflag:s10] =	dma.local [hbm:s21], $0x320  }
0x3d: {  	_ =	swait.ge [sflag:s23], $0x320  }
0x3e: {  	s13 =	rddreg [dreg:$0x8]  }
0x3f: {  	[sflag:s23] =	ssyncset.done $0x0;
	s13 =	sshrl.u32 s13, $0x3  }
0x40: {  	[sflag:s23] =	ssyncadd.s32 $0xFFFFFCE0;
	[dreg:$0x12] =	wrdreg s13  }
0x41: {  	[spmem:s13], [sflag:s10] =	dma.local [hbm:s21], $0x320  }
0x42: {  	_ =	swait.ge [sflag:s23], $0x320  }
0x43: {  	s22 =	rddreg [dreg:$0x9]  }
0x44: {  	[sflag:s23] =	ssyncset.done $0x0;
	s13 =	sshrl.u32 s22, $0x3  }
0x45: {  	[sflag:s23] =	ssyncadd.s32 $0xFFFFFCE0;
	[dreg:$0x13] =	wrdreg s13  }
0x46: {  	[spmem:s13], [sflag:s10] =	dma.local [hbm:s21], $0x320  }
0x47: {  	_ =	swait.ge [sflag:s23], $0x320  }
0x48: {  	[sflag:s23] =	ssyncset.done $0x0  }
0x49: {  	s9 =	simm.s32 $0x40;
	s13 =	simm.s32 $0x0;
	[sflag:s23] =	ssyncadd.s32 $0xFFFFFCE0  }
.LBB2_2:
0x4a: {  	p1 =	sne.s32 s9, $0xC40;
	[tilespmem:s13+$0x1A5E0] =	vst v0;
	s13 =	smov.u32 s9;
	s9 =	sadd.s32 $0x40, s9  }
.Ltmp2:
0x4b: {  	(pc) =	sbr.rel @p1 .LBB2_2-.Ltmp2, $2  }
0x4c: {  	_ =	sdelay $0x2  }
0x4d: {  	s13 =	sshra.s32 s13, $0x2  }
0x4e: {  	[tilespmem:s13+$0x1A5E0] =	vst v0  }
0x4f: {  	_ =	swait.ge [sflag:s24], $0x186A0  }
0x50: {  	[sflag:s24] =	ssyncset.done $0x0  }
0x51: {  	[sflag:s24] =	ssyncadd.s32 $0xFFFE7960  }
.Ltmp3:
0x52: {  	[bflag:$0x0] =	sbarrier.arrive $0xFFFF;
	(pc) =	sbr.rel @p0 .LBB2_11-.Ltmp3, $4  }
0x53: {  	s13 =	simm.s32 $0x0;
	s9 =	rddreg [dreg:$0xa]  }
0x54: {  	[tilespmem:s25], [sflag:$0x1] =	stream.linear.gather [hbm4b:s9+s13], $0x320, $0x38;
	[tilespmem:$0x1F400] =	vst v63  }
0x55: {  	s22 =	rddreg [dreg:$0xb]  }
0x56: {  	[tilespmem:s26], [sflag:$0x1] =	stream.linear.gather [hbm4b:s22+s13], $0x320, $0x38;
	[tilespmem:$0x1F400] =	vst v63  }
0x57: {  	s13 =	simm.s32 $0x0;
	s9 =	rddreg [dreg:$0xc]  }
0x58: {  	[tilespmem:s28], [sflag:$0x1] =	stream.linear.gather [hbm4b:s9+s13], $0x320, $0x38;
	[tilespmem:$0x1F400] =	vst v63  }
.LBB2_5:
0x59: {  	_ =	swait.ge [sflag:s24], $0x320  }
0x5a: {  	[sflag:s24] =	ssyncset.done $0x0  }
0x5b: {  	[sflag:s24] =	ssyncadd.s32 $0xFFFFFCE0  }
0x5c: {  	_ =	swait.ge [sflag:s24], $0x320  }
0x5d: {  	[sflag:s24] =	ssyncset.done $0x0  }
0x5e: {  	[sflag:s24] =	ssyncadd.s32 $0xFFFFFCE0  }
0x5f: {  	_ =	swait.ge [sflag:s24], $0x320  }
0x60: {  	[sflag:s24] =	ssyncset.done $0x0  }
0x61: {  	s9 =	simm.s32 $0x0;
	[sflag:s24] =	ssyncadd.s32 $0xFFFFFCE0  }
0x62: {  	v1 =	vld [tilespmem:s9+$0x186A0];
	_ =	sdelay $0x7  }
0x63: {  	v1 =	vld.idx.msk [tilespmem:v1+s6+$0x0], $0xffff  }
0x64: {  	s22 =	simm.s32 $0x10;
	s20 =	simm.s32 $0x80;
	v2 =	vld [tilespmem:s9+$0x19320]  }
.LBB2_6:
0x65: {  	p1 =	sne.s32 s20, $0xC40;
	v3 =	vld [tilespmem:s22+$0x186A0];
	_ =	sdelay $0x2  }
0x66: {  	v4 =	vshll.u32 v1, $0x10;
	v1 =	vand.u32 $0xFFFF0000, v1  }
0x67: {  	v4 =	vmul.f32 v4, v2;
	v1 =	vmul.f32 v1, v2;
	_ =	sdelay $0x1  }
.Ltmp4:
0x68: {  	[tilespmem:s9+$0x19960] =	vst v4;
	(pc) =	sbr.rel @p1 .LBB2_6-.Ltmp4, $3  }
0x69: {  	[tilespmem:s9+$0x19FA0] =	vst v1;
	s9 =	smov.u32 s22  }
0x6a: {  	v1 =	vld.idx.msk [tilespmem:v3+s6+$0x0], $0xffff;
	_ =	sdelay $0x1  }
0x6b: {  	s22 =	sshra.s32 s20, $0x2;
	s20 =	sadd.s32 $0x40, s20;
	v2 =	vld [tilespmem:s9+$0x19320]  }
0x6c: {  	v3 =	vld [tilespmem:s22+$0x186A0];
	_ =	sdelay $0x2  }
0x6d: {  	v4 =	vshll.u32 v1, $0x10  }
0x6e: {  	v1 =	vand.u32 $0xFFFF0000, v1;
	v4 =	vmul.f32 v4, v2  }
0x6f: {  	v1 =	vmul.f32 v1, v2  }
0x70: {  	[tilespmem:s9+$0x19960] =	vst v4  }
0x71: {  	[tilespmem:s9+$0x19FA0] =	vst v1  }
0x72: {  	v1 =	vld.idx.msk [tilespmem:v3+s6+$0x0], $0xffff  }
0x73: {  	v2 =	vld [tilespmem:s22+$0x19320];
	_ =	sdelay $0x3  }
0x74: {  	v3 =	vshll.u32 v1, $0x10  }
0x75: {  	v1 =	vand.u32 $0xFFFF0000, v1;
	v3 =	vmul.f32 v3, v2  }
0x76: {  	v1 =	vmul.f32 v1, v2  }
0x77: {  	[tilespmem:s22+$0x19960] =	vst v3  }
0x78: {  	[tilespmem:s22+$0x19FA0] =	vst v1  }
0x79: {  	[spmem:s2] =	stream.indirect.scatter.add.f32 [tilespmem:s30], [sflag:$0x2], $0x1, s26, s29, $0xb8;
	[tilespmem:$0x1F400] =	vst v63  }
0x7a: {  	p1 =	seq.s32 s13, $0x0  }
0x7b: {  	[spmem:s4] =	stream.indirect.scatter.add.f32 [tilespmem:s31], [sflag:$0x2], $0x1, s26, s29, $0xb8;
	[tilespmem:$0x1F400] =	vst v63  }
0x7c: {  	s9 =	simm.s32 @!p1 $0x3  }
0x7d: {  	[spmem:s5] =	stream.indirect.scatter.add.f32 [tilespmem:s28], [sflag:$0x2], $0x1, s26, s29, $0xb8;
	[tilespmem:$0x1F400] =	vst v63  }
0x7e: {  	_ =	swait.ge @!p1 [sflag:s9], $0x320  }
0x7f: {  	[sflag:s9] =	ssyncset.done @!p1 $0x0  }
0x80: {  	[sflag:s9] =	ssyncadd.s32 @!p1 $0xFFFFFCE0  }
0x81: {  	_ =	swait.ge @!p1 [sflag:s9], $0x320  }
0x82: {  	s22 =	smul.u32 $0x640, s13;
	[sflag:s9] =	ssyncset.done @!p1 $0x0  }
0x83: {  	[sflag:s9] =	ssyncadd.s32 @!p1 $0xFFFFFCE0  }
0x84: {  	s20 =	sadd.s32 s22, s15;
	_ =	swait.ge @!p1 [sflag:s9], $0x320  }
0x85: {  	s20 =	sshrl.u32 s20, $0x3;
	[sflag:s9] =	ssyncset.done @!p1 $0x0  }
0x86: {  	s21 =	simm.s32 $0x0;
	[sflag:s9] =	ssyncadd.s32 @!p1 $0xFFFFFCE0;
	s9 =	sadd.s32 s7, s20  }
0x87: {  	[tilespmem:s0], [sflag:$0x1] =	stream.linear.gather [hbm4b:s9+s21], $0x320, $0x38;
	[tilespmem:$0x1F400] =	vst v63  }
0x88: {  	s9 =	sadd.s32 $0xC3500, s9  }
0x89: {  	[tilespmem:s3], [sflag:$0x1] =	stream.linear.gather [hbm4b:s9+s21], $0x320, $0x38;
	[tilespmem:$0x1F400] =	vst v63  }
0x8a: {  	s20 =	sadd.s32 s1, s20  }
0x8b: {  	[tilespmem:s17], [sflag:$0x1] =	stream.linear.gather [hbm4b:s20+s21], $0x320, $0x38;
	[tilespmem:$0x1F400] =	vst v63  }
0x8c: {  	_ =	swait.ge [sflag:s24], $0x320  }
0x8d: {  	[sflag:s24] =	ssyncset.done $0x0  }
0x8e: {  	[sflag:s24] =	ssyncadd.s32 $0xFFFFFCE0  }
0x8f: {  	_ =	swait.ge [sflag:s24], $0x320  }
0x90: {  	[sflag:s24] =	ssyncset.done $0x0  }
0x91: {  	[sflag:s24] =	ssyncadd.s32 $0xFFFFFCE0  }
0x92: {  	_ =	swait.ge [sflag:s24], $0x320  }
0x93: {  	[sflag:s24] =	ssyncset.done $0x0  }
0x94: {  	s20 =	simm.s32 $0x0;
	[sflag:s24] =	ssyncadd.s32 $0xFFFFFCE0  }
0x95: {  	v1 =	vld [tilespmem:s20+$0x189C0];
	_ =	sdelay $0x7  }
0x96: {  	v1 =	vld.idx.msk [tilespmem:v1+s6+$0x0], $0xffff  }
0x97: {  	s9 =	simm.s32 $0x10;
	s21 =	simm.s32 $0x80;
	v2 =	vld [tilespmem:s20+$0x19640]  }
.LBB2_8:
0x98: {  	p1 =	sne.s32 s21, $0xC40;
	v3 =	vld [tilespmem:s9+$0x189C0];
	_ =	sdelay $0x2  }
0x99: {  	v4 =	vshll.u32 v1, $0x10;
	v1 =	vand.u32 $0xFFFF0000, v1  }
0x9a: {  	v4 =	vmul.f32 v4, v2;
	v1 =	vmul.f32 v1, v2;
	_ =	sdelay $0x1  }
.Ltmp5:
0x9b: {  	[tilespmem:s20+$0x19C80] =	vst v4;
	(pc) =	sbr.rel @p1 .LBB2_8-.Ltmp5, $3  }
0x9c: {  	[tilespmem:s20+$0x1A2C0] =	vst v1;
	s20 =	smov.u32 s9  }
0x9d: {  	v1 =	vld.idx.msk [tilespmem:v3+s6+$0x0], $0xffff;
	_ =	sdelay $0x1  }
0x9e: {  	s9 =	sshra.s32 s21, $0x2;
	s21 =	sadd.s32 $0x40, s21;
	v2 =	vld [tilespmem:s20+$0x19640]  }
0x9f: {  	v3 =	vld [tilespmem:s9+$0x189C0];
	_ =	sdelay $0x2  }
0xa0: {  	v4 =	vshll.u32 v1, $0x10  }
0xa1: {  	v1 =	vand.u32 $0xFFFF0000, v1;
	v4 =	vmul.f32 v4, v2  }
0xa2: {  	v1 =	vmul.f32 v1, v2  }
0xa3: {  	[tilespmem:s20+$0x19C80] =	vst v4  }
0xa4: {  	[tilespmem:s20+$0x1A2C0] =	vst v1  }
0xa5: {  	v1 =	vld.idx.msk [tilespmem:v3+s6+$0x0], $0xffff  }
0xa6: {  	v2 =	vld [tilespmem:s9+$0x19640];
	_ =	sdelay $0x3  }
0xa7: {  	v3 =	vshll.u32 v1, $0x10  }
0xa8: {  	v1 =	vand.u32 $0xFFFF0000, v1;
	v3 =	vmul.f32 v3, v2  }
0xa9: {  	v1 =	vmul.f32 v1, v2  }
0xaa: {  	[tilespmem:s9+$0x19C80] =	vst v3  }
0xab: {  	[tilespmem:s9+$0x1A2C0] =	vst v1  }
0xac: {  	[spmem:s2] =	stream.indirect.scatter.add.f32 [tilespmem:s8], [sflag:$0x3], $0x1, s3, s29, $0xb8;
	[tilespmem:$0x1F400] =	vst v63  }
0xad: {  	_ = 	snop  }
0xae: {  	[spmem:s4] =	stream.indirect.scatter.add.f32 [tilespmem:s11], [sflag:$0x3], $0x1, s3, s29, $0xb8;
	[tilespmem:$0x1F400] =	vst v63  }
0xaf: {  	_ = 	snop  }
0xb0: {  	[spmem:s5] =	stream.indirect.scatter.add.f32 [tilespmem:s17], [sflag:$0x3], $0x1, s3, s29, $0xb8;
	[tilespmem:$0x1F400] =	vst v63  }
0xb1: {  	_ =	swait.ge [sflag:s12], $0x320  }
0xb2: {  	[sflag:s12] =	ssyncset.done $0x0  }
0xb3: {  	[sflag:s12] =	ssyncadd.s32 $0xFFFFFCE0  }
0xb4: {  	p1 =	seq.s32 s13, $0x7C;
	_ =	swait.ge [sflag:s12], $0x320  }
.Ltmp6:
0xb5: {  	[sflag:s12] =	ssyncset.done $0x0;
	(pc) =	sbr.rel @p1 .LBB2_17-.Ltmp6, $4  }
0xb6: {  	[sflag:s12] =	ssyncadd.s32 $0xFFFFFCE0  }
0xb7: {  	_ =	swait.ge [sflag:s12], $0x320  }
0xb8: {  	[sflag:s12] =	ssyncset.done $0x0  }
0xb9: {  	[sflag:s12] =	ssyncadd.s32 $0xFFFFFCE0  }
0xba: {  	s9 =	sadd.s32 s22, s16  }
0xbb: {  	s9 =	sshrl.u32 s9, $0x3  }
0xbc: {  	s20 =	sadd.s32 s7, s9  }
0xbd: {  	[tilespmem:s25], [sflag:$0x1] =	stream.linear.gather [hbm4b:s20+s6], $0x320, $0x38;
	[tilespmem:$0x1F400] =	vst v63  }
.Ltmp7:
0xbe: {  	_ = 	snop;
	(pc) =	sbr.rel .LBB2_5-.Ltmp7, $4  }
0xbf: {  	s20 =	sadd.s32 $0xC3500, s20  }
0xc0: {  	[tilespmem:s26], [sflag:$0x1] =	stream.linear.gather [hbm4b:s20+s6], $0x320, $0x38;
	[tilespmem:$0x1F400] =	vst v63  }
0xc1: {  	s13 =	sadd.s32 $0x1, s13;
	s9 =	sadd.s32 s1, s9  }
0xc2: {  	[tilespmem:s28], [sflag:$0x1] =	stream.linear.gather [hbm4b:s9+s6], $0x320, $0x38;
	[tilespmem:$0x1F400] =	vst v63  }
.LBB2_11:
0xc3: {  	_ =	swait.ge [sflag:s24], $0x320  }
0xc4: {  	[sflag:s24] =	ssyncset.done $0x0  }
0xc5: {  	[sflag:s24] =	ssyncadd.s32 $0xFFFFFCE0  }
0xc6: {  	_ =	swait.ge [sflag:s24], $0x320  }
0xc7: {  	[sflag:s24] =	ssyncset.done $0x0  }
0xc8: {  	s20 =	simm.s32 $0x0;
	[sflag:s24] =	ssyncadd.s32 $0xFFFFFCE0  }
0xc9: {  	v1 =	vld [tilespmem:s20+$0x186A0];
	_ =	sdelay $0x7  }
0xca: {  	s9 =	simm.s32 $0x10;
	s21 =	simm.s32 $0x80;
	v1 =	vld.idx.msk [tilespmem:v1+s6+$0x0], $0xffff  }
.LBB2_12:
0xcb: {  	p1 =	sne.s32 s21, $0xC40;
	v2 =	vld [tilespmem:s9+$0x186A0];
	_ =	sdelay $0x3  }
.Ltmp8:
0xcc: {  	(pc) =	sbr.rel @p1 .LBB2_12-.Ltmp8, $4  }
0xcd: {  	v3 =	vshll.u32 v1, $0x10;
	v1 =	vand.u32 $0xFFFF0000, v1  }
0xce: {  	[tilespmem:s20+$0x19960] =	vst v3  }
0xcf: {  	[tilespmem:s20+$0x19FA0] =	vst v1;
	s20 =	smov.u32 s9  }
0xd0: {  	s9 =	sshra.s32 s21, $0x2;
	s21 =	sadd.s32 $0x40, s21;
	v1 =	vld.idx.msk [tilespmem:v2+s6+$0x0], $0xffff  }
0xd1: {  	v2 =	vld [tilespmem:s9+$0x186A0];
	_ =	sdelay $0x4  }
0xd2: {  	v3 =	vshll.u32 v1, $0x10  }
0xd3: {  	v1 =	vand.u32 $0xFFFF0000, v1;
	[tilespmem:s20+$0x19960] =	vst v3  }
0xd4: {  	[tilespmem:s20+$0x19FA0] =	vst v1  }
0xd5: {  	v1 =	vld.idx.msk [tilespmem:v2+s6+$0x0], $0xffff;
	_ =	sdelay $0x4  }
0xd6: {  	v2 =	vshll.u32 v1, $0x10  }
0xd7: {  	v1 =	vand.u32 $0xFFFF0000, v1;
	[tilespmem:s9+$0x19960] =	vst v2  }
0xd8: {  	[tilespmem:s9+$0x19FA0] =	vst v1  }
0xd9: {  	[spmem:s2] =	stream.indirect.scatter.add.f32 [tilespmem:s30], [sflag:$0x2], $0x1, s26, s29, $0xb8;
	[tilespmem:$0x1F400] =	vst v63  }
0xda: {  	p1 =	seq.s32 s13, $0x0  }
0xdb: {  	[spmem:s4] =	stream.indirect.scatter.add.f32 [tilespmem:s31], [sflag:$0x2], $0x1, s26, s29, $0xb8;
	[tilespmem:$0x1F400] =	vst v63  }
0xdc: {  	s9 =	simm.s32 @!p1 $0x3  }
0xdd: {  	[spmem:s5] =	stream.indirect.scatter.add.f32 [tilespmem:s18], [sflag:$0x2], $0x1, s26, s29, $0xb8;
	[tilespmem:$0x1F400] =	vst v63  }
0xde: {  	_ =	swait.ge @!p1 [sflag:s9], $0x320  }
0xdf: {  	[sflag:s9] =	ssyncset.done @!p1 $0x0  }
0xe0: {  	[sflag:s9] =	ssyncadd.s32 @!p1 $0xFFFFFCE0  }
0xe1: {  	_ =	swait.ge @!p1 [sflag:s9], $0x320  }
0xe2: {  	s22 =	smul.u32 $0x640, s13;
	[sflag:s9] =	ssyncset.done @!p1 $0x0  }
0xe3: {  	[sflag:s9] =	ssyncadd.s32 @!p1 $0xFFFFFCE0  }
0xe4: {  	s21 =	sadd.s32 s22, s15;
	_ =	swait.ge @!p1 [sflag:s9], $0x320  }
0xe5: {  	s20 =	sshrl.u32 s21, $0x3;
	[sflag:s9] =	ssyncset.done @!p1 $0x0  }
0xe6: {  	s21 =	simm.s32 $0x0;
	s20 =	sadd.s32 s7, s20;
	[sflag:s9] =	ssyncadd.s32 @!p1 $0xFFFFFCE0  }
0xe7: {  	[tilespmem:s0], [sflag:$0x1] =	stream.linear.gather [hbm4b:s20+s21], $0x320, $0x38;
	[tilespmem:$0x1F400] =	vst v63  }
0xe8: {  	s9 =	sadd.s32 $0xC3500, s20  }
0xe9: {  	[tilespmem:s3], [sflag:$0x1] =	stream.linear.gather [hbm4b:s9+s21], $0x320, $0x38;
	[tilespmem:$0x1F400] =	vst v63  }
0xea: {  	_ =	swait.ge [sflag:s24], $0x320  }
0xeb: {  	[sflag:s24] =	ssyncset.done $0x0  }
0xec: {  	[sflag:s24] =	ssyncadd.s32 $0xFFFFFCE0  }
0xed: {  	_ =	swait.ge [sflag:s24], $0x320  }
0xee: {  	[sflag:s24] =	ssyncset.done $0x0  }
0xef: {  	s20 =	simm.s32 $0x0;
	[sflag:s24] =	ssyncadd.s32 $0xFFFFFCE0  }
0xf0: {  	v1 =	vld [tilespmem:s20+$0x189C0];
	_ =	sdelay $0x7  }
0xf1: {  	s9 =	simm.s32 $0x10;
	s21 =	simm.s32 $0x80;
	v1 =	vld.idx.msk [tilespmem:v1+s6+$0x0], $0xffff  }
.LBB2_14:
0xf2: {  	p1 =	sne.s32 s21, $0xC40;
	v2 =	vld [tilespmem:s9+$0x189C0];
	_ =	sdelay $0x3  }
.Ltmp9:
0xf3: {  	(pc) =	sbr.rel @p1 .LBB2_14-.Ltmp9, $4  }
0xf4: {  	v3 =	vshll.u32 v1, $0x10;
	v1 =	vand.u32 $0xFFFF0000, v1  }
0xf5: {  	[tilespmem:s20+$0x19C80] =	vst v3  }
0xf6: {  	[tilespmem:s20+$0x1A2C0] =	vst v1;
	s20 =	smov.u32 s9  }
0xf7: {  	s9 =	sshra.s32 s21, $0x2;
	s21 =	sadd.s32 $0x40, s21;
	v1 =	vld.idx.msk [tilespmem:v2+s6+$0x0], $0xffff  }
0xf8: {  	v2 =	vld [tilespmem:s9+$0x189C0];
	_ =	sdelay $0x4  }
0xf9: {  	v3 =	vshll.u32 v1, $0x10  }
0xfa: {  	v1 =	vand.u32 $0xFFFF0000, v1;
	[tilespmem:s20+$0x19C80] =	vst v3  }
0xfb: {  	[tilespmem:s20+$0x1A2C0] =	vst v1  }
0xfc: {  	v1 =	vld.idx.msk [tilespmem:v2+s6+$0x0], $0xffff;
	_ =	sdelay $0x4  }
0xfd: {  	v2 =	vshll.u32 v1, $0x10  }
0xfe: {  	v1 =	vand.u32 $0xFFFF0000, v1;
	[tilespmem:s9+$0x19C80] =	vst v2  }
0xff: {  	[tilespmem:s9+$0x1A2C0] =	vst v1  }
0x100: {  	[spmem:s2] =	stream.indirect.scatter.add.f32 [tilespmem:s8], [sflag:$0x3], $0x1, s3, s29, $0xb8;
	[tilespmem:$0x1F400] =	vst v63  }
0x101: {  	_ = 	snop  }
0x102: {  	[spmem:s4] =	stream.indirect.scatter.add.f32 [tilespmem:s11], [sflag:$0x3], $0x1, s3, s29, $0xb8;
	[tilespmem:$0x1F400] =	vst v63  }
0x103: {  	_ = 	snop  }
0x104: {  	[spmem:s5] =	stream.indirect.scatter.add.f32 [tilespmem:s18], [sflag:$0x3], $0x1, s3, s29, $0xb8;
	[tilespmem:$0x1F400] =	vst v63  }
0x105: {  	_ =	swait.ge [sflag:s12], $0x320  }
0x106: {  	[sflag:s12] =	ssyncset.done $0x0  }
0x107: {  	[sflag:s12] =	ssyncadd.s32 $0xFFFFFCE0  }
0x108: {  	p1 =	seq.s32 s13, $0x7C;
	_ =	swait.ge [sflag:s12], $0x320  }
.Ltmp10:
0x109: {  	[sflag:s12] =	ssyncset.done $0x0;
	(pc) =	sbr.rel @p1 .LBB2_17-.Ltmp10, $4  }
0x10a: {  	[sflag:s12] =	ssyncadd.s32 $0xFFFFFCE0  }
0x10b: {  	_ =	swait.ge [sflag:s12], $0x320  }
0x10c: {  	[sflag:s12] =	ssyncset.done $0x0  }
0x10d: {  	[sflag:s12] =	ssyncadd.s32 $0xFFFFFCE0  }
0x10e: {  	s9 =	sadd.s32 s22, s16  }
.Ltmp11:
0x10f: {  	s9 =	sshrl.u32 s9, $0x3;
	(pc) =	sbr.rel .LBB2_11-.Ltmp11, $4  }
0x110: {  	s9 =	sadd.s32 s7, s9  }
0x111: {  	[tilespmem:s25], [sflag:$0x1] =	stream.linear.gather [hbm4b:s9+s6], $0x320, $0x38;
	[tilespmem:$0x1F400] =	vst v63  }
0x112: {  	s13 =	sadd.s32 $0x1, s13;
	s9 =	sadd.s32 $0xC3500, s9  }
0x113: {  	[tilespmem:s26], [sflag:$0x1] =	stream.linear.gather [hbm4b:s9+s6], $0x320, $0x38;
	[tilespmem:$0x1F400] =	vst v63  }
.LBB2_18:
0x114: {  	_ =	sfence.sel $0x180000  }
0x115: {  	[bflag:$0x0] =	sbarrier.arrive $0xFFFF  }
0x116: {  	_ =	strace $0x9000004A  }
0x117: {  	s0 =	stileid.u32;
	[bflag:$0x2] =	sbarrier.arrive $0xFFFF  }
0x118: {  	p0 =	sne.s32 s0, $0x0;
	s0 =	rddreg [dreg:$0x5]  }
0x119: {  	s0 =	sadd.s32 @!p0 $0x100000, s0  }
0x11a: {  	[sflag:s0] =	ssyncadd.tile.s32 @!p0 $0x1;
	_ =	shalt  }
.Lfunc_end2:
_tile_overlayer_lowered:
.L_overlay_start_2:
0x11b: {  	(tag) =	ssettag $0x2  }
0x11c: {  	s0 =	rddreg [dreg:$0x0];
	s2 =	stileid.u32  }
0x11d: {  	s1 =	rddreg [dreg:$0x1];
	p0 =	sne.s32 s2, $0x0  }
0x11e: {  	s3 =	rddreg [dreg:$0x2];
	[bflag:$0x3] =	sbarrier.arrive $0xFFFF;
	s2 =	simm.s32 @!p0 $0x1C04  }
0x11f: {  	[timem:s3], [sflag:s2] =	dma.local @!p0 [hbm:s0], s1  }
0x120: {  	s0 =	simm.s32 @!p0 $0x4  }
0x121: {  	_ =	swait.ge @!p0 [sflag:s0], s1  }
0x122: {  	s1 =	ssub.s32 @!p0 $0x0, s1;
	[sflag:s0] =	ssyncset.done @!p0 $0x0  }
0x123: {  	[sflag:s0] =	ssyncadd.s32 @!p0 s1  }
0x124: {  	[bflag:$0x3] =	sbarrier.arrive $0xFFFF  }
0x125: {  	_ =	shalt  }

// kernel: sparse-core-data-format-call.cloned.1.call-start
scs
called_computation_lowered:
.L_overlay_start_0:
0x0: {  	s2 =	sld [smem:$0x3FD9]  }
0x1: {  	s3 =	sld [smem:$0x3FFE];
	_ =	sdelay $0x1  }
0x2: {  	s1 =	srdreg.scid  }
0x3: {  	s0 =	sand.u32 $0x1, s1  }
0x4: {  	s18 =	sshll.u32 s0, $0xA;
	s2 =	sadd.s32 s3, s2  }
0x5: {  	s2 =	sadd.s32 s2, s18  }
0x6: {  	[smem:$0x3FC3] =	sst s2  }
0x7: {  	_ = 	snop  }
0x8: {  	s2 =	sld [smem:$0x3FC5];
	(tm) =	ssettm $0x1  }
0x9: {  	s19 =	sld [smem:$0x3FFB];
	_ =	sdelay $0x3  }
0xa: {  	_ =	strace s19  }
0xb: {  	s3 =	sld [smem:$0x3FFC];
	_ =	sdelay $0x3  }
0xc: {  	_ =	strace s3  }
0xd: {  	s3 =	sld [smem:$0x3FFD];
	_ =	sdelay $0x3  }
0xe: {  	_ =	strace s3  }
0xf: {  	_ =	strace $0x8FFFFFFF  }
0x10: {  	s20 =	sld [smem:$0x3FDB];
	_ =	sdelay $0x1  }
0x11: {  	s4 =	simm.s32 $_scs_section_size  }
0x12: {  	s5 =	simm.s32 $_size__tile_overlayer_lowered;
	s6 =	simm.s32 $_tile_overlayer_lowered  }
0x13: {  	s23 =	simm.s32 $0x1BFF;
	s22 =	sshll.u32 s6, $0x1;
	s3 =	sadd.s32 s4, s20  }
0x14: {  	s7 =	simm.s32 $0x0;
	s21 =	sshll.u32 s5, $0x1;
	s5 =	sadd.s32 s22, s3  }
0x15: {  	[timem:s7], [sflag:s23] =	dma.local [hbm:s5], s21  }
0x16: {  	_ =	swait.ge [sflag:s23], s21  }
0x17: {  	s4 =	ssub.s32 $0x0, s21;
	[sflag:s23] =	ssyncset.done $0x0  }
0x18: {  	[sflag:s23] =	ssyncadd.s32 s4;
	_ =	sdelay $0x1  }
0x19: {  	s24 =	simm.s32 $0x1B8B  }
0x1a: {  	_ =	swait.ge [sflag:s24], $0x1  }
0x1b: {  	[sflag:s24] =	ssyncset.done $0x0  }
0x1c: {  	s26 =	simm.s32 $0x1B8E;
	s25 =	sld [smem:$0x3FFE];
	[sflag:s24] =	ssyncadd.s32 $0xFFFFFFFF  }
0x1d: {  	s27 =	simm.s32 $execute0_lowered;
	[smem:$0x3FD2] =	sst s26  }
0x1e: {  	s5 =	sshll.u32 s27, $0x1;
	_ =	strace $0x80000046;
	[dreg:$0x1] =	wrdreg $0xFFFFFFFF  }
0x1f: {  	s28 =	simm.s32 $_size_execute0_lowered;
	s3 =	sadd.s32 s3, s5;
	[dreg:$0x0] =	wrdreg $0x0  }
0x20: {  	s5 =	sshll.u32 s28, $0x1;
	[dreg:$0x2] =	wrdreg s3  }
0x21: {  	[dreg:$0x3] =	wrdreg s5  }
0x22: {  	[dreg:$0x4] =	wrdreg $0xC0  }
0x23: {  	_ =	task [dreg:s7], $0x5FFFF  }
0x24: {  	[dreg:$0x1] =	wrdreg $0xFFFFFFFF  }
0x25: {  	[dreg:$0x0] =	wrdreg $0x60  }
0x26: {  	[dreg:$0x2] =	wrdreg s2  }
0x27: {  	[dreg:$0x3] =	wrdreg s25  }
0x28: {  	[dreg:$0x4] =	wrdreg $0x9  }
0x29: {  	_ =	task.clear_ibuf [dreg:s7], $0x5FFFF;
	_ =	strace $0x90000046  }
0x2a: {  	s29 =	simm.s32 $0x9;
	_ =	strace $0x80000048  }
0x2b: {  	_ =	swait.ge [sflag:s29], $0x1  }
0x2c: {  	[sflag:s29] =	ssyncadd.s32 $0xFFFFFFFF  }
0x2d: {  	_ =	strace $0x90000048  }
0x2e: {  	_ =	sfence  }
0x2f: {  	s30 =	sld [smem:$0x0];
	_ =	sdelay $0x2  }
0x30: {  	s31 =	sshll.u32 s1, $0xD;
	s1 =	sshrl.u32 s1, $0x2  }
0x31: {  	s3 =	sand.u32 $0x4000, s31;
	s1 =	sadd.s32 s1, s30  }
0x32: {  	s0 =	sor.u32 s3, s0;
	s1 =	sshll.u32 s1, $0x11  }
0x33: {  	s0 =	sor.u32 s1, s0  }
0x34: {  	s0 =	sadd.s32 $0x8F2B, s0  }
0x35: {  	[sflag:s0] =	ssyncadd.remote.s32 $0x1  }
0x36: {  	_ =	sfence.sel $0xFFFF  }
0x37: {  	[dreg:$0x0] =	wrdreg $0xFFFFFFFF;
	(pc) =	sbr.abs _section_cstart, $3  }
0x38: {  	[dreg:$0x1] =	wrdreg $0xFFFFFFFF  }
0x39: {  	_ =	task.clear_ibuf [dreg:s7], $0x2FFFF;
	_ =	strace $0x9FFFFFFF  }
0x3a: {  	(tm) =	ssettm $0x7FFFFFFF  }
0x3b: {  	_ =	shalt  }
tec
execute0_lowered:
.L_overlay_start_1:
0x0: {  	(tag) =	ssettag $0x1  }
0x1: {  	s0 =	stileid.u32;
	s7 =	rddreg [dreg:$0x0]  }
0x2: {  	s1 =	srdreg.scid;
	s4 =	rddreg [dreg:$0x1]  }
0x3: {  	s30 =	simm.s32 $0x2;
	s10 =	simm.s32 $0x0;
	s14 =	simm.s32 $0x0  }
0x4: {  	s15 =	simm.s32 $0x0;
	s11 =	simm.s32 $0x0;
	s13 =	simm.s32 $0x0  }
0x5: {  	s2 =	sand.u32 $0x1, s1;
	s3 =	sshll.u32 s0, $0x7;
	s1 =	rddreg [dreg:$0x2]  }
0x6: {  	_ =	strace $0x80000047;
	s5 =	ssub.s32 $0xC300, s3;
	s6 =	ssub.s32 $0x2, s2  }
.Ltmp0:
0x7: {  	s5 =	sshrl.u32 s5, $0xB;
	s8 =	sshrl.u32 s6, $0x1;
	(pc) =	sbr.rel .LBB1_1-.Ltmp0, $4  }
0x8: {  	s4 =	sadd.s32 $0x1000, s4;
	s9 =	sadd.s32 $0x1, s5;
	s6 =	ssub.s32 s6, s8  }
0x9: {  	s31 =	sshll.u32 s2, $0x4;
	s5 =	simm.s32 $0x1;
	s6 =	smul.u32 s9, s6  }
0xa: {  	s12 =	smov.u32 s3;
	s7 =	sadd.s32 s7, s31;
	[sflag:s5] =	ssyncpa.u1 $0x0  }
0xb: {  	s9 =	simm.s32 $0x0;
	[sflag:s30] =	ssyncpa.u1 $0x0;
	s8 =	sadd.s32 $0x1, s6  }
.LBB1_4:
0xc: {  	s21 =	simm.s32 $0x0  }
.LBB1_8:
0xd: {  	_ =	sdelay $0x3  }
0xe: {  	v6 =	vld [tilespmem:s18+$0xFFFFFFC0];
	[tilespmem:v0+s20+$0x30 ss:$0x1] =	vst.idx.msk @p0 $0xffff, v2  }
0xf: {  	v58 =	vld [tilespmem:s18+$0xFFFFFFD0];
	[tilespmem:v0+s20+$0x40 ss:$0x1] =	vst.idx.msk @p0 $0xffff, v3;
	s21 =	sadd.s32 @p0 $0x80, s21  }
0x10: {  	v59 =	vld [tilespmem:s18+$0xFFFFFFE0];
	[tilespmem:v0+s20+$0x50 ss:$0x1] =	vst.idx.msk @p0 $0xffff, v5;
	s19 =	smov.u32 @p0 s21  }
0x11: {  	v60 =	vld [tilespmem:s18+$0xFFFFFFF0];
	[tilespmem:v0+s20+$0x60 ss:$0x1] =	vst.idx.msk @p0 $0xffff, v4;
	s19 =	sand.u32 $0x3F80, s19  }
0x12: {  	v61 =	vld [tilespmem:s18+$0x0];
	[tilespmem:v0+s19+$0x70 ss:$0x1] =	vst.idx.msk $0xffff, v1  }
0x13: {  	v62 =	vld [tilespmem:s18+$0x10];
	[tilespmem:v0+s19+$0x0 ss:$0x1] =	vst.idx.msk $0xffff, v6  }
0x14: {  	v63 =	vld [tilespmem:s18+$0x20];
	[tilespmem:v0+s19+$0x10 ss:$0x1] =	vst.idx.msk $0xffff, v58  }
0x15: {  	[tilespmem:v0+s19+$0x20 ss:$0x1] =	vst.idx.msk $0xffff, v59  }
0x16: {  	[tilespmem:v0+s19+$0x30 ss:$0x1] =	vst.idx.msk $0xffff, v60  }
0x17: {  	[tilespmem:v0+s19+$0x40 ss:$0x1] =	vst.idx.msk $0xffff, v61  }
0x18: {  	[tilespmem:v0+s19+$0x50 ss:$0x1] =	vst.idx.msk $0xffff, v62  }
0x19: {  	[tilespmem:v0+s19+$0x60 ss:$0x1] =	vst.idx.msk $0xffff, v63  }
.LBB1_9:
0x1a: {  	s18 =	sand.u32 $0x1FFFFFF, s11  }
0x1b: {  	s19 =	smulhi.u32 $0x14F8B59, s18;
	_ =	sdelay $0x1  }
0x1c: {  	s19 =	sshrl.u32 s19, $0x8  }
0x1d: {  	s19 =	smul.u32 $0xC350, s19  }
0x1e: {  	s15 =	smul.u32 $0xC3500, s15  }
0x1f: {  	s18 =	ssub.s32 s18, s19  }
0x20: {  	s15 =	sadd.s32 s4, s15;
	s18 =	sshll.u32 s18, $0x4  }
0x21: {  	s15 =	sadd.s32 s18, s15  }
0x22: {  	[hbm4b:s15+s9] =	stream.linear.scatter [tilespmem:s17], [sflag:$0x2], s16, $0x38;
	[tilespmem:$0x10000] =	vst v63  }
.LBB1_10:
0x23: {  	p0 =	slt.u32 s13, $0x2  }
0x24: {  	p1 =	sgt.s32 @!p0 s14, $0xC2D0  }
0x25: {  	s15 =	smov.u32 s14;
	s16 =	sshra.s32 @!p0 s14, $0x1F;
	p1 =	por !p1, p0  }
0x26: {  	s14 =	sand.u32 @!p0 s16, s14;
	s15 =	simm.s32 @p1 $0xC2D0  }
0x27: {  	s14 =	ssub.s32 @!p0 s15, s14  }
0x28: {  	s14 =	sadd.s32 @!p0 $0xFFFF3D30, s14  }
0x29: {  	s15 =	sshll.u32 @!p0 s14, $0x7  }
0x2a: {  	p1 =	sgt.s32 @!p0 s14, $0x7F;
	s14 =	ssub.s32 @!p0 $0x4000, s15  }
0x2b: {  	s16 =	sadd.s32 $0x800, s12;
	p1 =	por !p1, p0;
	s14 =	sand.u32 @!p0 $0x3FFFFF80, s14  }
0x2c: {  	s14 =	simm.s32 @!p1 $0x0;
	p1 =	sgt.s32 s16, $0xC34F  }
0x2d: {  	s16 =	smov.u32 @p1 s3;
	p1 =	sne.s32 s13, s8  }
.Ltmp1:
0x2e: {  	_ = 	snop;
	(pc) =	sbr.rel @!p1 .LBB1_11-.Ltmp1, $4  }
0x2f: {  	s10 =	sadd.s32 $0x4000, s10;
	s15 =	simm.s32 @!p0 $0x2  }
0x30: {  	_ =	swait.ge @!p0 [sflag:s15], s14;
	s17 =	ssub.s32 @!p0 $0x0, s14;
	s14 =	smov.u32 s11  }
0x31: {  	s13 =	sadd.s32 $0x1, s13;
	s11 =	smov.u32 s12;
	[sflag:s15] =	ssyncset.done @!p0 $0x0  }
0x32: {  	s12 =	smov.u32 s16;
	[sflag:s15] =	ssyncadd.s32 @!p0 s17;
	s15 =	smov.u32 s2  }
.LBB1_1:
0x33: {  	p0 =	sge.u32 s13, s6  }
0x34: {  	p1 =	sgt.s32 @!p0 s12, $0xC2D0  }
0x35: {  	s16 =	smov.u32 s12;
	s17 =	sshra.s32 @!p0 s12, $0x1F;
	p1 =	por !p1, p0  }
0x36: {  	s17 =	sand.u32 @!p0 s17, s12;
	s16 =	simm.s32 @p1 $0xC2D0  }
0x37: {  	s16 =	ssub.s32 @!p0 s16, s17  }
0x38: {  	s31 =	sadd.s32 $0xFFFFFFFF, s13;
	s18 =	sxor.u32 @!p0 $0xFFFFFFFF, s13;
	s16 =	sadd.s32 @!p0 $0xFFFF3D30, s16  }
0x39: {  	s19 =	simm.s32 @!p0 $0x80;
	s20 =	simm.s32 @!p0 $0x100;
	s17 =	sshll.u32 @!p0 s16, $0x7  }
0x3a: {  	p1 =	sgt.s32 @!p0 s16, $0x7F;
	s16 =	ssub.s32 @!p0 $0x4000, s17;
	s17 =	sshll.u32 @!p0 s18, $0xE  }
0x3b: {  	p1 =	por !p1, p0;
	s18 =	sshll.u32 @!p0 s12, $0x5;
	s16 =	sand.u32 @!p0 $0x3FFFFF80, s16  }
0x3c: {  	s17 =	sand.u32 @!p0 $0x4000, s17;
	s18 =	sadd.s32 @!p0 s18, s7;
	s16 =	simm.s32 @!p1 $0x0  }
0x3d: {  	[tilespmem:s17], [sflag:$0x1] =	stream.strided.gather @!p0 [hbm4b:s18+s19], s16, s20, s19, $0x38;
	[tilespmem:$0x10000] =	vst v63  }
0x3e: {  	p0 =	sge.u32 s31, s6  }
.Ltmp2:
0x3f: {  	_ = 	snop;
	(pc) =	sbr.rel @p0 .LBB1_10-.Ltmp2, $1  }
0x40: {  	_ =	sdelay $0x3  }
0x41: {  	p0 =	sgt.s32 s11, $0xC2D0;
	s16 =	smov.u32 s11;
	s17 =	sshra.s32 s11, $0x1F  }
0x42: {  	s16 =	simm.s32 @!p0 $0xC2D0;
	s17 =	sand.u32 s17, s11  }
0x43: {  	s16 =	ssub.s32 s16, s17  }
0x44: {  	s16 =	sadd.s32 $0xFFFF3D30, s16  }
0x45: {  	s30 =	sshll.u32 s16, $0x7  }
0x46: {  	s17 =	ssub.s32 $0x4000, s30  }
0x47: {  	p0 =	sgt.s32 s16, $0x7F;
	s16 =	sand.u32 $0x3FFFFF80, s17;
	s17 =	sadd.s32 $0x80, s11  }
0x48: {  	s16 =	simm.s32 @p0 $0x0;
	p0 =	slt.s32 s17, $0xC350  }
0x49: {  	s17 =	simm.s32 @!p0 $0xC350  }
0x4a: {  	s20 =	ssub.s32 s17, s11  }
0x4b: {  	p0 =	slt.s32 s20, $0x1  }
.Ltmp3:
0x4c: {  	_ = 	snop;
	(pc) =	sbr.rel @p0 .LBB1_9-.Ltmp3, $4  }
0x4d: {  	_ = 	snop  }
0x4e: {  	s19 =	sshll.u32 s13, $0xE;
	_ =	swait.ge [sflag:s5], s16  }
0x4f: {  	s31 =	sand.u32 $0x4000, s19;
	s18 =	ssub.s32 $0x0, s16;
	[sflag:s5] =	ssyncset.done $0x0  }
0x50: {  	s17 =	sor.u32 $0x8000, s31;
	[sflag:s5] =	ssyncadd.s32 s18  }
0x51: {  	p1 =	sne.s32 s20, $0x1  }
.Ltmp4:
0x52: {  	v0 =	vmov s17;
	(pc) =	sbr.rel @!p1 .LBB1_4-.Ltmp4, $4  }
0x53: {  	_ = 	snop  }
0x54: {  	s18 =	sand.u32 $0x4000, s10  }
0x55: {  	s18 =	sor.u32 $0x40, s18  }
0x56: {  	s19 =	simm.s32 $0x0;
	s21 =	sadd.s32 $0xFFFFFFFF, s20;
	p0 =	por $0x0, $0x0;
	v1 =	vld [tilespmem:s18+$0x30]  }
0x57: {  	v4 =	vld [tilespmem:s18+$0xFFFFFFC0]  }
0x58: {  	v6 =	vld [tilespmem:s18+$0xFFFFFFD0]  }
0x59: {  	v7 =	vld [tilespmem:s18+$0xFFFFFFE0];
	p1 =	sne.s32 s21, $0x1  }
.Ltmp5:
0x5a: {  	v2 =	vld [tilespmem:s18+$0xFFFFFFF0];
	s20 =	sand.u32 $0x3F80, s19;
	(pc) =	sbr.rel @!p1 .LBB1_6-.Ltmp5, $4  }
0x5b: {  	v3 =	vld [tilespmem:s18+$0x0];
	[tilespmem:v0+s20+$0x70 ss:$0x1] =	vst.idx.msk $0xffff, v1  }
0x5c: {  	v5 =	vld [tilespmem:s18+$0x10];
	[tilespmem:v0+s20+$0x0 ss:$0x1] =	vst.idx.msk $0xffff, v4  }
0x5d: {  	v4 =	vld [tilespmem:s18+$0x20];
	[tilespmem:v0+s20+$0x10 ss:$0x1] =	vst.idx.msk $0xffff, v6;
	s18 =	sadd.s32 $0x80, s18  }
0x5e: {  	s22 =	sadd.s32 $0xFFFFFFFF, s21;
	p0 =	por $0x1, $0x1;
	s21 =	simm.s32 $0x0;
	[tilespmem:v0+s20+$0x20 ss:$0x1] =	vst.idx.msk $0xffff, v7;
	v1 =	vld [tilespmem:s18+$0x30]  }
.LBB1_7:
0x5f: {  	p1 =	sne.s32 s22, $0x1;
	v6 =	vld [tilespmem:s18+$0xFFFFFFC0];
	[tilespmem:v0+s20+$0x30 ss:$0x1] =	vst.idx.msk $0xffff, v2  }
0x60: {  	v7 =	vld [tilespmem:s18+$0xFFFFFFD0];
	[tilespmem:v0+s20+$0x40 ss:$0x1] =	vst.idx.msk $0xffff, v3  }
0x61: {  	s21 =	sadd.s32 $0x80, s21;
	v8 =	vld [tilespmem:s18+$0xFFFFFFE0];
	[tilespmem:v0+s20+$0x50 ss:$0x1] =	vst.idx.msk $0xffff, v5  }
.Ltmp6:
0x62: {  	v2 =	vld [tilespmem:s18+$0xFFFFFFF0];
	[tilespmem:v0+s20+$0x60 ss:$0x1] =	vst.idx.msk $0xffff, v4;
	s20 =	sand.u32 $0x3F80, s21;
	(pc) =	sbr.rel @p1 .LBB1_7-.Ltmp6, $4  }
0x63: {  	v3 =	vld [tilespmem:s18+$0x0];
	[tilespmem:v0+s20+$0x70 ss:$0x1] =	vst.idx.msk $0xffff, v1  }
0x64: {  	[tilespmem:v0+s20+$0x0 ss:$0x1] =	vst.idx.msk $0xffff, v6;
	v5 =	vld [tilespmem:s18+$0x10]  }
0x65: {  	[tilespmem:v0+s20+$0x10 ss:$0x1] =	vst.idx.msk $0xffff, v7;
	v4 =	vld [tilespmem:s18+$0x20];
	s18 =	sadd.s32 $0x80, s18  }
0x66: {  	s22 =	sadd.s32 $0xFFFFFFFF, s22;
	v1 =	vld [tilespmem:s18+$0x30];
	[tilespmem:v0+s20+$0x20 ss:$0x1] =	vst.idx.msk $0xffff, v8  }
.Ltmp7:
0x67: {  	_ = 	snop;
	(pc) =	sbr.rel .LBB1_8-.Ltmp7, $1  }
0x68: {  	_ =	sdelay $0x3  }
.LBB1_6:
.Ltmp8:
0x69: {  	(pc) =	sbr.rel .LBB1_8-.Ltmp8, $2  }
0x6a: {  	_ =	sdelay $0x2  }
0x6b: {  	s21 =	simm.s32 $0x0  }
.LBB1_11:
0x6c: {  	_ =	sfence.sel $0x180000  }
0x6d: {  	s2 =	simm.s32 $0x1;
	[bflag:$0x0] =	sbarrier.arrive $0xFFFF  }
0x6e: {  	s31 =	simm.s32 $0x2;
	[sflag:s2] =	ssyncpa.u1 $0x1  }
0x6f: {  	[sflag:s31] =	ssyncpa.u1 $0x1  }
0x70: {  	p0 =	sne.s32 s0, $0x0;
	_ =	strace $0x90000047  }
0x71: {  	s0 =	sadd.s32 @!p0 $0x100000, s1;
	[bflag:$0x2] =	sbarrier.arrive $0xFFFF  }
0x72: {  	[sflag:s0] =	ssyncadd.tile.s32 @!p0 $0x1;
	_ =	shalt  }
.Lfunc_end1:
_tile_overlayer_lowered:
.L_overlay_start_2:
0x73: {  	(tag) =	ssettag $0x2  }
0x74: {  	s0 =	rddreg [dreg:$0x0];
	s2 =	stileid.u32  }
0x75: {  	s1 =	rddreg [dreg:$0x1];
	p0 =	sne.s32 s2, $0x0  }
0x76: {  	s3 =	rddreg [dreg:$0x2];
	[bflag:$0x3] =	sbarrier.arrive $0xFFFF;
	s2 =	simm.s32 @!p0 $0x1C01  }
0x77: {  	[timem:s3], [sflag:s2] =	dma.local @!p0 [hbm:s0], s1  }
0x78: {  	s0 =	simm.s32 @!p0 $0x1  }
0x79: {  	_ =	swait.ge @!p0 [sflag:s0], s1  }
0x7a: {  	s1 =	ssub.s32 @!p0 $0x0, s1;
	[sflag:s0] =	ssyncset.done @!p0 $0x0  }
0x7b: {  	[sflag:s0] =	ssyncadd.s32 @!p0 s1  }
0x7c: {  	[bflag:$0x3] =	sbarrier.arrive $0xFFFF  }
0x7d: {  	_ =	shalt  }

</sc_bundles>
